<compile_context>
chip_gen: v7x
topology: tpu7x:2x2x1
jax: 0.10.2.dev20260603
libtpu: 0.0.44.dev20260713+nightly
codegen_flags: <defaults>
</compile_context>

<pallas_src>
import functools
import math

import jax
import jax.numpy as jnp
from jax import lax
from jax.experimental import pallas as pl
from jax.experimental.pallas import tpu as pltpu
from jax.experimental.pallas import tpu_sc as plsc

B = 128
N = 8193
K = 16
EMB = 2
NEG = -1e9
INV_SQRT2 = 1.0 / math.sqrt(2.0)


def _sc_gather_build():
    mesh = plsc.VectorSubcoreMesh(core_axis_name="c", subcore_axis_name="s")

    @functools.partial(
        pl.kernel,
        out_type=jax.ShapeDtypeStruct((B * K,), jnp.int32),
        mesh=mesh,
        scratch_types=[pltpu.VMEM((16,), jnp.int32),
                       pltpu.VMEM((256,), jnp.int32),
                       pltpu.VMEM((256,), jnp.int32),
                       pltpu.SemaphoreType.DMA],
        compiler_params=pltpu.CompilerParams(use_tc_tiling_on_sc=False),
    )
    def sc_gather(knn1d, cur_hbm, out1d, cur_v, idx_v, val_v, sem):
        wid = lax.axis_index("s") * 2 + lax.axis_index("c")

        @pl.when(wid < 8)
        def _():
            base = wid * 16
            pltpu.sync_copy(cur_hbm.at[pl.ds(base, 16)], cur_v)
            lanes = lax.iota(jnp.int32, 16)
            flat_b = base + lanes
            row0 = cur_v[...] * (K * B) + flat_b
            for k in range(K):
                idx_v[pl.ds(k * 16, 16)] = row0 + k * B
            pltpu.async_copy(knn1d.at[idx_v], val_v, sem).wait()
            pltpu.sync_copy(val_v, out1d.at[pl.ds(wid * 256, 256)])

    return sc_gather


_sc_gather = _sc_gather_build()


NM = N - 1


def _tc_body(psi_ref, tail_ref, dem_ref, vis_ref, knn_ref, cur_ref,
             cap_ref, used_ref, w_ref, scal_ref, out_ref, mask_ref):
    i32 = jnp.int32
    cap = cap_ref[...]
    rem = cap - used_ref[...]
    cur = cur_ref[...]
    at_depot = cur == 0
    tail = tail_ref[...]
    t0 = tail[0:1, :]
    t1 = tail[1:2, :]

    riota = lax.broadcasted_iota(i32, (2 * NM, 1), 0)
    pv = psi_ref[...]
    cur2 = cur * 2
    c0 = jnp.sum(jnp.where(riota == cur2, pv, 0.0), axis=0, keepdims=True)
    c1 = jnp.sum(jnp.where(riota == cur2 + 1, pv, 0.0), axis=0, keepdims=True)
    c0 = c0 + jnp.where(cur == NM, t0, 0.0)
    c1 = c1 + jnp.where(cur == NM, t1, 0.0)
    c0 = jnp.where(at_depot, 0.0, c0)
    c1 = jnp.where(at_depot, 0.0, c1)
    cap_frac = rem / jnp.maximum(cap, 1e-9)
    step_frac = scal_ref[0, 0]
    lam = scal_ref[0, 1]
    q = []
    for e in range(EMB):
        pre = (c0 * w_ref[0, e] + c1 * w_ref[1, e]
               + cap_frac * w_ref[2, e] + step_frac * w_ref[3, e]
               + w_ref[4, e])
        q.append(jnp.tanh(pre) * INV_SQRT2)

    p0 = psi_ref[0::2, :]
    p1 = psi_ref[1::2, :]
    attn = p0 * q[0] + p1 * q[1]
    attn_t = 10.0 * jnp.tanh(attn)
    attn_tail = 10.0 * jnp.tanh(t0 * q[0] + t1 * q[1])

    niota = lax.broadcasted_iota(i32, (N, 1), 0)
    mrow = ((vis_ref[...] != 0) | (dem_ref[...] > rem)).astype(i32)
    cust = jnp.where(niota >= 1, 1 - mrow, 0)
    has_cust = jnp.max(cust, axis=0, keepdims=True) > 0
    m0 = jnp.where(at_depot & has_cust, 1, 0)
    full = jnp.where(niota == 0, m0, mrow)

    kv = knn_ref[...]
    miota = lax.broadcasted_iota(i32, (NM, 1), 0)
    acc = miota == kv[0:1, :]
    acc_t = kv[0:1, :] == NM
    for k in range(1, K):
        acc = acc | (miota == kv[k:k + 1, :])
        acc_t = acc_t | (kv[k:k + 1, :] == NM)
    hybrid = (1.0 - lam) * attn_t + jnp.where(acc, lam, 0.0)
    hybrid_t = (1.0 - lam) * attn_tail + jnp.where(acc_t, lam, 0.0)
    scores = jnp.where(full[0:NM, :] > 0, NEG, hybrid)
    scores_t = jnp.where(full[NM:N, :] > 0, NEG, hybrid_t)
    sumexp = (jnp.sum(jnp.exp(scores), axis=0, keepdims=True)
              + jnp.exp(scores_t))
    lse = jnp.log(sumexp)
    out_ref[0:NM, :] = scores - lse
    out_ref[NM:N, :] = scores_t - lse
    mask_ref[...] = full


def _tc_dense(psi_int, tail, dem_t, vis_t, knn16, cur_r, cap_r, used_r,
              wmat, scal):
    vm = pl.BlockSpec(memory_space=pltpu.VMEM)
    sm = pl.BlockSpec(memory_space=pltpu.SMEM)
    return pl.pallas_call(
        _tc_body,
        in_specs=[vm, vm, vm, vm, vm, vm, vm, vm, sm, sm],
        out_specs=[vm, vm],
        out_shape=[jax.ShapeDtypeStruct((N, B), jnp.float32),
                   jax.ShapeDtypeStruct((N, B), jnp.int32)],
    )(psi_int, tail, dem_t, vis_t, knn16, cur_r, cap_r, used_r, wmat, scal)


def kernel(psi_prime, knn_indices, visited, demands, capacity, used_capacity,
           current_node, step, n_customers, W_ctx, b_ctx, lam):
    f32 = jnp.float32
    cur = current_node.astype(jnp.int32)

    knn1d = jnp.transpose(knn_indices, (1, 2, 0)).reshape(-1)
    gath = _sc_gather(knn1d, cur)
    knn16 = jnp.transpose(gath.reshape(8, K, 16), (1, 0, 2)).reshape(K, B)

    p3 = jnp.transpose(psi_prime, (1, 2, 0))
    psi_int = p3[:NM].reshape(2 * NM, B)
    tail = p3[NM]
    dem_t = demands.T
    vis_t = visited.T.astype(jnp.uint8)
    cur_r = cur.reshape(1, B)
    cap_r = capacity.reshape(1, B)
    used_r = used_capacity.reshape(1, B)

    step_f = jnp.asarray(step, f32)
    denom = jnp.maximum(jnp.asarray(n_customers, f32), 1.0)
    scal = jnp.stack([step_f / denom, jnp.asarray(lam, f32)]).reshape(1, 2)
    wmat = jnp.concatenate(
        [W_ctx.astype(f32), b_ctx.reshape(1, EMB).astype(f32)], axis=0)

    out_t, mask_i32 = _tc_dense(psi_int, tail, dem_t, vis_t, knn16,
                                cur_r, cap_r, used_r, wmat, scal)
    return out_t.T, mask_i32.astype(jnp.bool_).T

# --- scband reference (transcript-rebuilt; emitter-appended) ---
"""Pipeline reference for scband-qapdecoder-31851477467306 (READ-ONLY COPY).

The authoritative reference and input builder live on the scoring server;
editing this copy changes nothing except your own understanding.
"""

import jax, jax.numpy as jnp
import numpy as np

B, NP1, K, CTX, EMB = 128, 8193, 16, 4, 2


def setup_inputs(seed: int = 0) -> dict:
    key = jax.random.key(seed)
    ks = jax.random.split(key, 8)
    psi_prime = jax.random.normal(ks[0], (B, NP1, EMB), dtype=jnp.float32)
    knn_indices = jax.random.randint(ks[1], (B, NP1, K), 0, NP1)
    visited = jnp.zeros((B, NP1), dtype=bool)
    demands = jax.random.uniform(ks[2], (B, NP1), dtype=jnp.float32)
    capacity = jnp.ones((B,), dtype=jnp.float32)
    used_capacity = jax.random.uniform(ks[3], (B,), dtype=jnp.float32)
    current_node = jax.random.randint(ks[4], (B,), 0, NP1)
    W_ctx = jax.random.normal(ks[5], (CTX, EMB), dtype=jnp.float32) * 0.5
    b_ctx = jnp.zeros((EMB,), dtype=jnp.float32)
    lam = jnp.asarray(0.1, dtype=jnp.float32)
    return {
        'psi_prime': psi_prime,
        'knn_indices': knn_indices,
        'visited': visited,
        'demands': demands,
        'capacity': capacity,
        'used_capacity': used_capacity,
        'current_node': current_node,
        'step': 0,
        'n_customers': NP1 - 1,
        'W_ctx': W_ctx,
        'b_ctx': b_ctx,
        'lam': lam,
    }


def reference(psi_prime, knn_indices, visited, demands, capacity, used_capacity,
              current_node, step, n_customers, W_ctx, b_ctx, lam):
    Bb, Np1, d = psi_prime.shape
    # ---- _get_mask ----
    remaining = capacity - used_capacity                      # [B]
    exceeds = demands > remaining[:, None]                    # [B, N+1]
    mask = visited | exceeds
    mask = mask.at[:, 0].set(False)
    at_depot = current_node == 0
    has_cust = jnp.any(~mask[:, 1:], axis=1)
    mask = mask.at[:, 0].set(at_depot & has_cust)
    # ---- ContextAndQuery ----
    b_idx = jnp.arange(Bb)
    psi_curr = psi_prime[b_idx, current_node]                 # [B, 2] gather
    psi_curr = jnp.where(at_depot[:, None], 0.0, psi_curr)    # depot -> zero vector
    cap_frac = (remaining / jnp.maximum(capacity, 1e-9))[:, None]
    step_f = jnp.asarray(step, dtype=psi_prime.dtype)
    denom = jnp.maximum(jnp.asarray(n_customers, dtype=psi_prime.dtype),
                        jnp.asarray(1, dtype=psi_prime.dtype))
    step_frac = jnp.ones((Bb, 1), dtype=psi_prime.dtype) * (step_f / denom)
    context = jnp.concatenate([psi_curr, cap_frac, step_frac], axis=-1)  # [B, 4]
    query = jnp.tanh(context @ W_ctx + b_ctx)                 # [B, 2]
    # ---- HybridScoring ----
    attn = jnp.einsum('bd,bnd->bn', query, psi_prime) / jnp.sqrt(
        jnp.asarray(d, psi_prime.dtype))                      # [B, N+1]
    attn = 10.0 * jnp.tanh(attn)
    knn_cur = knn_indices[b_idx, current_node]                # [B, k] gather
    knn_bonus = jnp.zeros((Bb, Np1), psi_prime.dtype).at[
        b_idx[:, None], knn_cur].set(1.0)                     # scatter-overwrite
    hybrid = (1.0 - lam) * attn + lam * knn_bonus
    scores = jnp.where(mask, -1e9, hybrid)
    log_probs = jax.nn.log_softmax(scores, axis=-1)
    return log_probs, mask

if __name__ == "__main__":
    import jax
    _d = setup_inputs()
    print(jax.jit(kernel)(*tuple(_d.values())))

</pallas_src>

<mosaic_0001>
#map = affine_map<(d0, d1) -> (0)>
module attributes {stable_mosaic.version = 14 : i64} {
  func.func @sc_gather(%arg0: i32, %arg1: i32, %arg2: memref<16779264xi32, #tpu.memory_space<hbm>>, %arg3: memref<128xi32, #tpu.memory_space<hbm>>, %arg4: memref<2048xi32, #tpu.memory_space<hbm>>, %arg5: memref<16xi32, #tpu.memory_space<vmem>>, %arg6: memref<256xi32, #tpu.memory_space<vmem>>, %arg7: memref<256xi32, #tpu.memory_space<vmem>>, %arg8: memref<!tpu.dma_semaphore, #tpu.memory_space<semaphore_mem>>) attributes {dimension_semantics = [#tpu.dimension_semantics<core_parallel>, #tpu.dimension_semantics<subcore_parallel>], iteration_bounds = array<i64: 2, 16>, scalar_prefetch = 0 : i64, scratch_operands = 4 : i64, tpu.core_type = #tpu.core_type<sc_vector_subcore>, window_params = [{transform_indices = #map}, {transform_indices = #map}, {transform_indices = #map}]} {
    %mul3A = arith.constant 2 : i32
    %mul3A_0 = arith.muli %arg1, %mul3A : i32
    %add3A = arith.addi %mul3A_0, %arg0 : i32
    %lt3A = arith.constant 8 : i32
    %lt3A_1 = arith.cmpi slt, %add3A, %lt3A : i32
    %convert_element_type3A = arith.extui %lt3A_1 : i1 to i32
    %cond3A = arith.constant 0 : i32
    %cond3A_2 = arith.cmpi ne, %convert_element_type3A, %cond3A : i32
    scf.if %cond3A_2 {
      %mul3A_3 = arith.constant 16 : i32
      %mul3A_4 = arith.muli %add3A, %mul3A_3 : i32
      "tpu.region"() ({
        %run_scoped3A = tpu.sem_alloc : memref<!tpu.dma_semaphore, #tpu.memory_space<semaphore_mem>>
        %dma_start3A_128 = tpu.memref_slice %arg3[%mul3A_4] : memref<128xi32, #tpu.memory_space<hbm>> -> memref<16xi32, #tpu.memory_space<hbm>>
        %dma_start3A_129 = tpu.memref_slice %arg3[%mul3A_4] : memref<128xi32, #tpu.memory_space<hbm>> -> memref<16xi32, #tpu.memory_space<hbm>>
        tpu.enqueue_dma source(%dma_start3A_129 : memref<16xi32, #tpu.memory_space<hbm>>) target(%arg5 : memref<16xi32, #tpu.memory_space<vmem>>) target_semaphore(%run_scoped3A : memref<!tpu.dma_semaphore, #tpu.memory_space<semaphore_mem>>)
        %dma_wait3A_130 = tpu.memref_slice %arg3[%mul3A_4] : memref<128xi32, #tpu.memory_space<hbm>> -> memref<16xi32, #tpu.memory_space<hbm>>
        %dma_wait3A_131 = tpu.memref_slice %arg3[%mul3A_4] : memref<128xi32, #tpu.memory_space<hbm>> -> memref<16xi32, #tpu.memory_space<hbm>>
        tpu.wait_dma2 semaphore(%run_scoped3A : memref<!tpu.dma_semaphore, #tpu.memory_space<semaphore_mem>>) src(%dma_wait3A_131 : memref<16xi32, #tpu.memory_space<hbm>>) dst(%arg5 : memref<16xi32, #tpu.memory_space<vmem>>)
        tpu.yield
      }) : () -> ()
      %iota3A = tpu.iota {dimensions = array<i32: 0>} : vector<16xi32>
      %add3A_5 = vector.broadcast %mul3A_4 : i32 to vector<16xi32>
      %add3A_6 = arith.addi %add3A_5, %iota3A : vector<16xi32>
      %get3A = arith.constant 0 : index
      %get3A_7 = tpu.vector_load %arg5[%get3A] {strides = array<i32>} : memref<16xi32, #tpu.memory_space<vmem>>, vector<16xi32>,
      %get3A_8 = vector.shape_cast %get3A_7 : vector<16xi32> to vector<16xi32>
      %mul3A_9 = arith.constant 2048 : i32
      %mul3A_10 = vector.broadcast %mul3A_9 : i32 to vector<16xi32>
      %mul3A_11 = arith.muli %get3A_8, %mul3A_10 : vector<16xi32>
      %add3A_12 = arith.addi %mul3A_11, %add3A_6 : vector<16xi32>
      %add3A_13 = arith.constant 0 : i32
      %add3A_14 = vector.broadcast %add3A_13 : i32 to vector<16xi32>
      %add3A_15 = arith.addi %add3A_12, %add3A_14 : vector<16xi32>
      %swap3A = arith.constant 0 : index
      %swap3A_16 = tpu.vector_load %arg6[%swap3A] {strides = array<i32>} : memref<256xi32, #tpu.memory_space<vmem>>, vector<16xi32>,
      %swap3A_17 = vector.shape_cast %swap3A_16 : vector<16xi32> to vector<16xi32>
      %swap3A_18 = vector.shape_cast %add3A_15 : vector<16xi32> to vector<16xi32>
      tpu.vector_store %arg6[%swap3A], %swap3A_18 {strides = array<i32>} : memref<256xi32, #tpu.memory_space<vmem>>, vector<16xi32>,
      %add3A_19 = arith.constant 128 : i32
      %add3A_20 = vector.broadcast %add3A_19 : i32 to vector<16xi32>
      %add3A_21 = arith.addi %add3A_12, %add3A_20 : vector<16xi32>
      %swap3A_22 = arith.constant 16 : index
      %swap3A_23 = tpu.vector_load %arg6[%swap3A_22] {strides = array<i32>} : memref<256xi32, #tpu.memory_space<vmem>>, vector<16xi32>,
      %swap3A_24 = vector.shape_cast %swap3A_23 : vector<16xi32> to vector<16xi32>
      %swap3A_25 = vector.shape_cast %add3A_21 : vector<16xi32> to vector<16xi32>
      tpu.vector_store %arg6[%swap3A_22], %swap3A_25 {strides = array<i32>} : memref<256xi32, #tpu.memory_space<vmem>>, vector<16xi32>,
      %add3A_26 = arith.constant 256 : i32
      %add3A_27 = vector.broadcast %add3A_26 : i32 to vector<16xi32>
      %add3A_28 = arith.addi %add3A_12, %add3A_27 : vector<16xi32>
      %swap3A_29 = arith.constant 32 : index
      %swap3A_30 = tpu.vector_load %arg6[%swap3A_29] {strides = array<i32>} : memref<256xi32, #tpu.memory_space<vmem>>, vector<16xi32>,
      %swap3A_31 = vector.shape_cast %swap3A_30 : vector<16xi32> to vector<16xi32>
      %swap3A_32 = vector.shape_cast %add3A_28 : vector<16xi32> to vector<16xi32>
      tpu.vector_store %arg6[%swap3A_29], %swap3A_32 {strides = array<i32>} : memref<256xi32, #tpu.memory_space<vmem>>, vector<16xi32>,
      %add3A_33 = arith.constant 384 : i32
      %add3A_34 = vector.broadcast %add3A_33 : i32 to vector<16xi32>
      %add3A_35 = arith.addi %add3A_12, %add3A_34 : vector<16xi32>
      %swap3A_36 = arith.constant 48 : index
      %swap3A_37 = tpu.vector_load %arg6[%swap3A_36] {strides = array<i32>} : memref<256xi32, #tpu.memory_space<vmem>>, vector<16xi32>,
      %swap3A_38 = vector.shape_cast %swap3A_37 : vector<16xi32> to vector<16xi32>
      %swap3A_39 = vector.shape_cast %add3A_35 : vector<16xi32> to vector<16xi32>
      tpu.vector_store %arg6[%swap3A_36], %swap3A_39 {strides = array<i32>} : memref<256xi32, #tpu.memory_space<vmem>>, vector<16xi32>,
      %add3A_40 = arith.constant 512 : i32
      %add3A_41 = vector.broadcast %add3A_40 : i32 to vector<16xi32>
      %add3A_42 = arith.addi %add3A_12, %add3A_41 : vector<16xi32>
      %swap3A_43 = arith.constant 64 : index
      %swap3A_44 = tpu.vector_load %arg6[%swap3A_43] {strides = array<i32>} : memref<256xi32, #tpu.memory_space<vmem>>, vector<16xi32>,
      %swap3A_45 = vector.shape_cast %swap3A_44 : vector<16xi32> to vector<16xi32>
      %swap3A_46 = vector.shape_cast %add3A_42 : vector<16xi32> to vector<16xi32>
      tpu.vector_store %arg6[%swap3A_43], %swap3A_46 {strides = array<i32>} : memref<256xi32, #tpu.memory_space<vmem>>, vector<16xi32>,
      %add3A_47 = arith.constant 640 : i32
      %add3A_48 = vector.broadcast %add3A_47 : i32 to vector<16xi32>
      %add3A_49 = arith.addi %add3A_12, %add3A_48 : vector<16xi32>
      %swap3A_50 = arith.constant 80 : index
      %swap3A_51 = tpu.vector_load %arg6[%swap3A_50] {strides = array<i32>} : memref<256xi32, #tpu.memory_space<vmem>>, vector<16xi32>,
      %swap3A_52 = vector.shape_cast %swap3A_51 : vector<16xi32> to vector<16xi32>
      %swap3A_53 = vector.shape_cast %add3A_49 : vector<16xi32> to vector<16xi32>
      tpu.vector_store %arg6[%swap3A_50], %swap3A_53 {strides = array<i32>} : memref<256xi32, #tpu.memory_space<vmem>>, vector<16xi32>,
      %add3A_54 = arith.constant 768 : i32
      %add3A_55 = vector.broadcast %add3A_54 : i32 to vector<16xi32>
      %add3A_56 = arith.addi %add3A_12, %add3A_55 : vector<16xi32>
      %swap3A_57 = arith.constant 96 : index
      %swap3A_58 = tpu.vector_load %arg6[%swap3A_57] {strides = array<i32>} : memref<256xi32, #tpu.memory_space<vmem>>, vector<16xi32>,
      %swap3A_59 = vector.shape_cast %swap3A_58 : vector<16xi32> to vector<16xi32>
      %swap3A_60 = vector.shape_cast %add3A_56 : vector<16xi32> to vector<16xi32>
      tpu.vector_store %arg6[%swap3A_57], %swap3A_60 {strides = array<i32>} : memref<256xi32, #tpu.memory_space<vmem>>, vector<16xi32>,
      %add3A_61 = arith.constant 896 : i32
      %add3A_62 = vector.broadcast %add3A_61 : i32 to vector<16xi32>
      %add3A_63 = arith.addi %add3A_12, %add3A_62 : vector<16xi32>
      %swap3A_64 = arith.constant 112 : index
      %swap3A_65 = tpu.vector_load %arg6[%swap3A_64] {strides = array<i32>} : memref<256xi32, #tpu.memory_space<vmem>>, vector<16xi32>,
      %swap3A_66 = vector.shape_cast %swap3A_65 : vector<16xi32> to vector<16xi32>
      %swap3A_67 = vector.shape_cast %add3A_63 : vector<16xi32> to vector<16xi32>
      tpu.vector_store %arg6[%swap3A_64], %swap3A_67 {strides = array<i32>} : memref<256xi32, #tpu.memory_space<vmem>>, vector<16xi32>,
      %add3A_68 = arith.constant 1024 : i32
      %add3A_69 = vector.broadcast %add3A_68 : i32 to vector<16xi32>
      %add3A_70 = arith.addi %add3A_12, %add3A_69 : vector<16xi32>
      %swap3A_71 = arith.constant 128 : index
      %swap3A_72 = tpu.vector_load %arg6[%swap3A_71] {strides = array<i32>} : memref<256xi32, #tpu.memory_space<vmem>>, vector<16xi32>,
      %swap3A_73 = vector.shape_cast %swap3A_72 : vector<16xi32> to vector<16xi32>
      %swap3A_74 = vector.shape_cast %add3A_70 : vector<16xi32> to vector<16xi32>
      tpu.vector_store %arg6[%swap3A_71], %swap3A_74 {strides = array<i32>} : memref<256xi32, #tpu.memory_space<vmem>>, vector<16xi32>,
      %add3A_75 = arith.constant 1152 : i32
      %add3A_76 = vector.broadcast %add3A_75 : i32 to vector<16xi32>
      %add3A_77 = arith.addi %add3A_12, %add3A_76 : vector<16xi32>
      %swap3A_78 = arith.constant 144 : index
      %swap3A_79 = tpu.vector_load %arg6[%swap3A_78] {strides = array<i32>} : memref<256xi32, #tpu.memory_space<vmem>>, vector<16xi32>,
      %swap3A_80 = vector.shape_cast %swap3A_79 : vector<16xi32> to vector<16xi32>
      %swap3A_81 = vector.shape_cast %add3A_77 : vector<16xi32> to vector<16xi32>
      tpu.vector_store %arg6[%swap3A_78], %swap3A_81 {strides = array<i32>} : memref<256xi32, #tpu.memory_space<vmem>>, vector<16xi32>,
      %add3A_82 = arith.constant 1280 : i32
      %add3A_83 = vector.broadcast %add3A_82 : i32 to vector<16xi32>
      %add3A_84 = arith.addi %add3A_12, %add3A_83 : vector<16xi32>
      %swap3A_85 = arith.constant 160 : index
      %swap3A_86 = tpu.vector_load %arg6[%swap3A_85] {strides = array<i32>} : memref<256xi32, #tpu.memory_space<vmem>>, vector<16xi32>,
      %swap3A_87 = vector.shape_cast %swap3A_86 : vector<16xi32> to vector<16xi32>
      %swap3A_88 = vector.shape_cast %add3A_84 : vector<16xi32> to vector<16xi32>
      tpu.vector_store %arg6[%swap3A_85], %swap3A_88 {strides = array<i32>} : memref<256xi32, #tpu.memory_space<vmem>>, vector<16xi32>,
      %add3A_89 = arith.constant 1408 : i32
      %add3A_90 = vector.broadcast %add3A_89 : i32 to vector<16xi32>
      %add3A_91 = arith.addi %add3A_12, %add3A_90 : vector<16xi32>
      %swap3A_92 = arith.constant 176 : index
      %swap3A_93 = tpu.vector_load %arg6[%swap3A_92] {strides = array<i32>} : memref<256xi32, #tpu.memory_space<vmem>>, vector<16xi32>,
      %swap3A_94 = vector.shape_cast %swap3A_93 : vector<16xi32> to vector<16xi32>
      %swap3A_95 = vector.shape_cast %add3A_91 : vector<16xi32> to vector<16xi32>
      tpu.vector_store %arg6[%swap3A_92], %swap3A_95 {strides = array<i32>} : memref<256xi32, #tpu.memory_space<vmem>>, vector<16xi32>,
      %add3A_96 = arith.constant 1536 : i32
      %add3A_97 = vector.broadcast %add3A_96 : i32 to vector<16xi32>
      %add3A_98 = arith.addi %add3A_12, %add3A_97 : vector<16xi32>
      %swap3A_99 = arith.constant 192 : index
      %swap3A_100 = tpu.vector_load %arg6[%swap3A_99] {strides = array<i32>} : memref<256xi32, #tpu.memory_space<vmem>>, vector<16xi32>,
      %swap3A_101 = vector.shape_cast %swap3A_100 : vector<16xi32> to vector<16xi32>
      %swap3A_102 = vector.shape_cast %add3A_98 : vector<16xi32> to vector<16xi32>
      tpu.vector_store %arg6[%swap3A_99], %swap3A_102 {strides = array<i32>} : memref<256xi32, #tpu.memory_space<vmem>>, vector<16xi32>,
      %add3A_103 = arith.constant 1664 : i32
      %add3A_104 = vector.broadcast %add3A_103 : i32 to vector<16xi32>
      %add3A_105 = arith.addi %add3A_12, %add3A_104 : vector<16xi32>
      %swap3A_106 = arith.constant 208 : index
      %swap3A_107 = tpu.vector_load %arg6[%swap3A_106] {strides = array<i32>} : memref<256xi32, #tpu.memory_space<vmem>>, vector<16xi32>,
      %swap3A_108 = vector.shape_cast %swap3A_107 : vector<16xi32> to vector<16xi32>
      %swap3A_109 = vector.shape_cast %add3A_105 : vector<16xi32> to vector<16xi32>
      tpu.vector_store %arg6[%swap3A_106], %swap3A_109 {strides = array<i32>} : memref<256xi32, #tpu.memory_space<vmem>>, vector<16xi32>,
      %add3A_110 = arith.constant 1792 : i32
      %add3A_111 = vector.broadcast %add3A_110 : i32 to vector<16xi32>
      %add3A_112 = arith.addi %add3A_12, %add3A_111 : vector<16xi32>
      %swap3A_113 = arith.constant 224 : index
      %swap3A_114 = tpu.vector_load %arg6[%swap3A_113] {strides = array<i32>} : memref<256xi32, #tpu.memory_space<vmem>>, vector<16xi32>,
      %swap3A_115 = vector.shape_cast %swap3A_114 : vector<16xi32> to vector<16xi32>
      %swap3A_116 = vector.shape_cast %add3A_112 : vector<16xi32> to vector<16xi32>
      tpu.vector_store %arg6[%swap3A_113], %swap3A_116 {strides = array<i32>} : memref<256xi32, #tpu.memory_space<vmem>>, vector<16xi32>,
      %add3A_117 = arith.constant 1920 : i32
      %add3A_118 = vector.broadcast %add3A_117 : i32 to vector<16xi32>
      %add3A_119 = arith.addi %add3A_12, %add3A_118 : vector<16xi32>
      %swap3A_120 = arith.constant 240 : index
      %swap3A_121 = tpu.vector_load %arg6[%swap3A_120] {strides = array<i32>} : memref<256xi32, #tpu.memory_space<vmem>>, vector<16xi32>,
      %swap3A_122 = vector.shape_cast %swap3A_121 : vector<16xi32> to vector<16xi32>
      %swap3A_123 = vector.shape_cast %add3A_119 : vector<16xi32> to vector<16xi32>
      tpu.vector_store %arg6[%swap3A_120], %swap3A_123 {strides = array<i32>} : memref<256xi32, #tpu.memory_space<vmem>>, vector<16xi32>,
      %dma_start3A = arith.constant 0 : i32
      %dma_start3A_124 = tpu.memref_slice %arg2[%dma_start3A] : memref<16779264xi32, #tpu.memory_space<hbm>> -> memref<16779264xi32, #tpu.memory_space<hbm>>
      tpu.enqueue_indirect_dma source(%dma_start3A_124 : memref<16779264xi32, #tpu.memory_space<hbm>>) target(%arg7 : memref<256xi32, #tpu.memory_space<vmem>>) offsets(%arg6 : memref<256xi32, #tpu.memory_space<vmem>>) semaphore(%arg8 : memref<!tpu.dma_semaphore, #tpu.memory_space<semaphore_mem>>)
      %dma_wait3A = arith.constant 0 : i32
      %dma_wait3A_125 = tpu.memref_slice %arg2[%dma_wait3A] : memref<16779264xi32, #tpu.memory_space<hbm>> -> memref<16779264xi32, #tpu.memory_space<hbm>>
      tpu.wait_indirect_dma semaphore(%arg8 : memref<!tpu.dma_semaphore, #tpu.memory_space<semaphore_mem>>) src(%dma_wait3A_125 : memref<16779264xi32, #tpu.memory_space<hbm>>) dst(%arg7 : memref<256xi32, #tpu.memory_space<vmem>>)
      %mul3A_126 = arith.constant 256 : i32
      %mul3A_127 = arith.muli %add3A, %mul3A_126 : i32
      "tpu.region"() ({
        %run_scoped3A = tpu.sem_alloc : memref<!tpu.dma_semaphore, #tpu.memory_space<semaphore_mem>>
        %dma_start3A_128 = tpu.memref_slice %arg4[%mul3A_127] : memref<2048xi32, #tpu.memory_space<hbm>> -> memref<256xi32, #tpu.memory_space<hbm>>
        %dma_start3A_129 = tpu.memref_slice %arg4[%mul3A_127] : memref<2048xi32, #tpu.memory_space<hbm>> -> memref<256xi32, #tpu.memory_space<hbm>>
        tpu.enqueue_dma source(%arg7 : memref<256xi32, #tpu.memory_space<vmem>>) target(%dma_start3A_129 : memref<256xi32, #tpu.memory_space<hbm>>) target_semaphore(%run_scoped3A : memref<!tpu.dma_semaphore, #tpu.memory_space<semaphore_mem>>)
        %dma_wait3A_130 = tpu.memref_slice %arg4[%mul3A_127] : memref<2048xi32, #tpu.memory_space<hbm>> -> memref<256xi32, #tpu.memory_space<hbm>>
        %dma_wait3A_131 = tpu.memref_slice %arg4[%mul3A_127] : memref<2048xi32, #tpu.memory_space<hbm>> -> memref<256xi32, #tpu.memory_space<hbm>>
        tpu.wait_dma2 semaphore(%run_scoped3A : memref<!tpu.dma_semaphore, #tpu.memory_space<semaphore_mem>>) src(%arg7 : memref<256xi32, #tpu.memory_space<vmem>>) dst(%dma_wait3A_131 : memref<256xi32, #tpu.memory_space<hbm>>)
        tpu.yield
      }) : () -> ()
    } else {
    }
    return
  }
}

module attributes {stable_mosaic.version = 14 : i64} {
  func.func @_tc_body(%arg0: memref<16384x128xf32, #tpu.memory_space<vmem>>, %arg1: memref<2x128xf32, #tpu.memory_space<vmem>>, %arg2: memref<8193x128xf32, #tpu.memory_space<vmem>>, %arg3: memref<8193x128xi8, #tpu.memory_space<vmem>>, %arg4: memref<16x128xi32, #tpu.memory_space<vmem>>, %arg5: memref<1x128xi32, #tpu.memory_space<vmem>>, %arg6: memref<1x128xf32, #tpu.memory_space<vmem>>, %arg7: memref<1x128xf32, #tpu.memory_space<vmem>>, %arg8: memref<5x2xf32, #tpu.memory_space<smem>>, %arg9: memref<1x2xf32, #tpu.memory_space<smem>>, %arg10: memref<8193x128xf32, #tpu.memory_space<vmem>>, %arg11: memref<8193x128xi32, #tpu.memory_space<vmem>>) attributes {dimension_semantics = [], scalar_prefetch = 0 : i64, scratch_operands = 0 : i64, tpu.core_type = #tpu.core_type<tc>} {
    %get3A = arith.constant 0 : index
    %get3A_0 = arith.constant 0 : index
    %get3A_1 = vector.load %arg6[%get3A, %get3A_0] : memref<1x128xf32, #tpu.memory_space<vmem>>, vector<1x128xf32>
    %get3A_2 = arith.constant 0 : index
    %get3A_3 = arith.constant 0 : index
    %get3A_4 = vector.load %arg7[%get3A_2, %get3A_3] : memref<1x128xf32, #tpu.memory_space<vmem>>, vector<1x128xf32>
    %sub3A = arith.subf %get3A_1, %get3A_4 : vector<1x128xf32>
    %get3A_5 = arith.constant 0 : index
    %get3A_6 = arith.constant 0 : index
    %get3A_7 = vector.load %arg5[%get3A_5, %get3A_6] : memref<1x128xi32, #tpu.memory_space<vmem>>, vector<1x128xi32>
    %eq3A = arith.constant 0 : i32
    %eq3A_8 = vector.broadcast %eq3A : i32 to vector<1x128xi32>
    %eq3A_9 = arith.cmpi eq, %get3A_7, %eq3A_8 : vector<1x128xi32>
    %get3A_10 = arith.constant 0 : index
    %get3A_11 = arith.constant 0 : index
    %get3A_12 = vector.load %arg1[%get3A_10, %get3A_11] : memref<2x128xf32, #tpu.memory_space<vmem>>, vector<2x128xf32>
    %slice3A = vector.extract_strided_slice %get3A_12 {offsets = [0, 0], sizes = [1, 128], strides = [1, 1]} : vector<2x128xf32> to vector<1x128xf32>
    %slice3A_13 = vector.extract_strided_slice %get3A_12 {offsets = [1, 0], sizes = [1, 128], strides = [1, 1]} : vector<2x128xf32> to vector<1x128xf32>
    %iota3A = tpu.iota {dimensions = array<i32: 0>} : vector<16384x1xi32>
    %get3A_14 = arith.constant 0 : index
    %get3A_15 = arith.constant 0 : index
    %get3A_16 = vector.load %arg0[%get3A_14, %get3A_15] : memref<16384x128xf32, #tpu.memory_space<vmem>>, vector<16384x128xf32>
    %mul3A = arith.constant 2 : i32
    %mul3A_17 = vector.broadcast %mul3A : i32 to vector<1x128xi32>
    %mul3A_18 = arith.muli %get3A_7, %mul3A_17 : vector<1x128xi32>
    %eq3A_19 = vector.broadcast %iota3A : vector<16384x1xi32> to vector<16384x128xi32>
    %eq3A_20 = vector.broadcast %mul3A_18 : vector<1x128xi32> to vector<16384x128xi32>
    %eq3A_21 = arith.cmpi eq, %eq3A_19, %eq3A_20 : vector<16384x128xi32>
    %jit3A = arith.constant 0.000000e+00 : f32
    %broadcast_in_dim3A = vector.broadcast %jit3A : f32 to vector<16384x128xf32>
    %select_n3A = arith.select %eq3A_21, %get3A_16, %broadcast_in_dim3A : vector<16384x128xi1>, vector<16384x128xf32>
    %reduce_sum3A = arith.constant dense<0.000000e+00> : vector<128xf32>
    %reduce_sum3A_22 = vector.multi_reduction <add>, %select_n3A, %reduce_sum3A [0] : vector<16384x128xf32> to vector<128xf32>
    %broadcast_in_dim3A_23 = vector.shape_cast %reduce_sum3A_22 : vector<128xf32> to vector<1x128xf32>
    %add3A = arith.constant 1 : i32
    %add3A_24 = vector.broadcast %add3A : i32 to vector<1x128xi32>
    %add3A_25 = arith.addi %mul3A_18, %add3A_24 : vector<1x128xi32>
    %eq3A_26 = vector.broadcast %iota3A : vector<16384x1xi32> to vector<16384x128xi32>
    %eq3A_27 = vector.broadcast %add3A_25 : vector<1x128xi32> to vector<16384x128xi32>
    %eq3A_28 = arith.cmpi eq, %eq3A_26, %eq3A_27 : vector<16384x128xi32>
    %jit3A_29 = arith.constant 0.000000e+00 : f32
    %broadcast_in_dim3A_30 = vector.broadcast %jit3A_29 : f32 to vector<16384x128xf32>
    %select_n3A_31 = arith.select %eq3A_28, %get3A_16, %broadcast_in_dim3A_30 : vector<16384x128xi1>, vector<16384x128xf32>
    %reduce_sum3A_32 = arith.constant dense<0.000000e+00> : vector<128xf32>
    %reduce_sum3A_33 = vector.multi_reduction <add>, %select_n3A_31, %reduce_sum3A_32 [0] : vector<16384x128xf32> to vector<128xf32>
    %broadcast_in_dim3A_34 = vector.shape_cast %reduce_sum3A_33 : vector<128xf32> to vector<1x128xf32>
    %eq3A_35 = arith.constant 8192 : i32
    %eq3A_36 = vector.broadcast %eq3A_35 : i32 to vector<1x128xi32>
    %eq3A_37 = arith.cmpi eq, %get3A_7, %eq3A_36 : vector<1x128xi32>
    %jit3A_38 = arith.constant 0.000000e+00 : f32
    %broadcast_in_dim3A_39 = vector.broadcast %jit3A_38 : f32 to vector<1x128xf32>
    %select_n3A_40 = arith.select %eq3A_37, %slice3A, %broadcast_in_dim3A_39 : vector<1x128xi1>, vector<1x128xf32>
    %add3A_41 = arith.addf %broadcast_in_dim3A_23, %select_n3A_40 : vector<1x128xf32>
    %eq3A_42 = arith.constant 8192 : i32
    %eq3A_43 = vector.broadcast %eq3A_42 : i32 to vector<1x128xi32>
    %eq3A_44 = arith.cmpi eq, %get3A_7, %eq3A_43 : vector<1x128xi32>
    %jit3A_45 = arith.constant 0.000000e+00 : f32
    %broadcast_in_dim3A_46 = vector.broadcast %jit3A_45 : f32 to vector<1x128xf32>
    %select_n3A_47 = arith.select %eq3A_44, %slice3A_13, %broadcast_in_dim3A_46 : vector<1x128xi1>, vector<1x128xf32>
    %add3A_48 = arith.addf %broadcast_in_dim3A_34, %select_n3A_47 : vector<1x128xf32>
    %jit3A_49 = arith.constant 0.000000e+00 : f32
    %broadcast_in_dim3A_50 = vector.broadcast %jit3A_49 : f32 to vector<1x128xf32>
    %select_n3A_51 = arith.select %eq3A_9, %broadcast_in_dim3A_50, %add3A_41 : vector<1x128xi1>, vector<1x128xf32>
    %jit3A_52 = arith.constant 0.000000e+00 : f32
    %broadcast_in_dim3A_53 = vector.broadcast %jit3A_52 : f32 to vector<1x128xf32>
    %select_n3A_54 = arith.select %eq3A_9, %broadcast_in_dim3A_53, %add3A_48 : vector<1x128xi1>, vector<1x128xf32>
    %max3A = arith.constant 9.99999971E-10 : f32
    %max3A_55 = vector.broadcast %max3A : f32 to vector<1x128xf32>
    %max3A_56 = arith.maximumf %get3A_1, %max3A_55 : vector<1x128xf32>
    %div3A = arith.divf %sub3A, %max3A_56 : vector<1x128xf32>
    %get3A_57 = arith.constant 0 : index
    %get3A_58 = arith.constant 0 : index
    %get3A_59 = memref.load %arg9[%get3A_57, %get3A_58] : memref<1x2xf32, #tpu.memory_space<smem>>
    %get3A_60 = arith.constant 0 : index
    %get3A_61 = arith.constant 1 : index
    %get3A_62 = memref.load %arg9[%get3A_60, %get3A_61] : memref<1x2xf32, #tpu.memory_space<smem>>
    %get3A_63 = arith.constant 0 : index
    %get3A_64 = arith.constant 0 : index
    %get3A_65 = memref.load %arg8[%get3A_63, %get3A_64] : memref<5x2xf32, #tpu.memory_space<smem>>
    %mul3A_66 = vector.broadcast %get3A_65 : f32 to vector<1x128xf32>
    %mul3A_67 = arith.mulf %select_n3A_51, %mul3A_66 : vector<1x128xf32>
    %get3A_68 = arith.constant 1 : index
    %get3A_69 = arith.constant 0 : index
    %get3A_70 = memref.load %arg8[%get3A_68, %get3A_69] : memref<5x2xf32, #tpu.memory_space<smem>>
    %mul3A_71 = vector.broadcast %get3A_70 : f32 to vector<1x128xf32>
    %mul3A_72 = arith.mulf %select_n3A_54, %mul3A_71 : vector<1x128xf32>
    %add3A_73 = arith.addf %mul3A_67, %mul3A_72 : vector<1x128xf32>
    %get3A_74 = arith.constant 2 : index
    %get3A_75 = arith.constant 0 : index
    %get3A_76 = memref.load %arg8[%get3A_74, %get3A_75] : memref<5x2xf32, #tpu.memory_space<smem>>
    %mul3A_77 = vector.broadcast %get3A_76 : f32 to vector<1x128xf32>
    %mul3A_78 = arith.mulf %div3A, %mul3A_77 : vector<1x128xf32>
    %add3A_79 = arith.addf %add3A_73, %mul3A_78 : vector<1x128xf32>
    %get3A_80 = arith.constant 3 : index
    %get3A_81 = arith.constant 0 : index
    %get3A_82 = memref.load %arg8[%get3A_80, %get3A_81] : memref<5x2xf32, #tpu.memory_space<smem>>
    %mul3A_83 = arith.mulf %get3A_59, %get3A_82 : f32
    %add3A_84 = vector.broadcast %mul3A_83 : f32 to vector<1x128xf32>
    %add3A_85 = arith.addf %add3A_79, %add3A_84 : vector<1x128xf32>
    %get3A_86 = arith.constant 4 : index
    %get3A_87 = arith.constant 0 : index
    %get3A_88 = memref.load %arg8[%get3A_86, %get3A_87] : memref<5x2xf32, #tpu.memory_space<smem>>
    %add3A_89 = vector.broadcast %get3A_88 : f32 to vector<1x128xf32>
    %add3A_90 = arith.addf %add3A_85, %add3A_89 : vector<1x128xf32>
    %tanh3A = math.tanh %add3A_90 : vector<1x128xf32>
    %mul3A_91 = arith.constant 0.707106769 : f32
    %mul3A_92 = vector.broadcast %mul3A_91 : f32 to vector<1x128xf32>
    %mul3A_93 = arith.mulf %tanh3A, %mul3A_92 : vector<1x128xf32>
    %get3A_94 = arith.constant 0 : index
    %get3A_95 = arith.constant 1 : index
    %get3A_96 = memref.load %arg8[%get3A_94, %get3A_95] : memref<5x2xf32, #tpu.memory_space<smem>>
    %mul3A_97 = vector.broadcast %get3A_96 : f32 to vector<1x128xf32>
    %mul3A_98 = arith.mulf %select_n3A_51, %mul3A_97 : vector<1x128xf32>
    %get3A_99 = arith.constant 1 : index
    %get3A_100 = arith.constant 1 : index
    %get3A_101 = memref.load %arg8[%get3A_99, %get3A_100] : memref<5x2xf32, #tpu.memory_space<smem>>
    %mul3A_102 = vector.broadcast %get3A_101 : f32 to vector<1x128xf32>
    %mul3A_103 = arith.mulf %select_n3A_54, %mul3A_102 : vector<1x128xf32>
    %add3A_104 = arith.addf %mul3A_98, %mul3A_103 : vector<1x128xf32>
    %get3A_105 = arith.constant 2 : index
    %get3A_106 = arith.constant 1 : index
    %get3A_107 = memref.load %arg8[%get3A_105, %get3A_106] : memref<5x2xf32, #tpu.memory_space<smem>>
    %mul3A_108 = vector.broadcast %get3A_107 : f32 to vector<1x128xf32>
    %mul3A_109 = arith.mulf %div3A, %mul3A_108 : vector<1x128xf32>
    %add3A_110 = arith.addf %add3A_104, %mul3A_109 : vector<1x128xf32>
    %get3A_111 = arith.constant 3 : index
    %get3A_112 = arith.constant 1 : index
    %get3A_113 = memref.load %arg8[%get3A_111, %get3A_112] : memref<5x2xf32, #tpu.memory_space<smem>>
    %mul3A_114 = arith.mulf %get3A_59, %get3A_113 : f32
    %add3A_115 = vector.broadcast %mul3A_114 : f32 to vector<1x128xf32>
    %add3A_116 = arith.addf %add3A_110, %add3A_115 : vector<1x128xf32>
    %get3A_117 = arith.constant 4 : index
    %get3A_118 = arith.constant 1 : index
    %get3A_119 = memref.load %arg8[%get3A_117, %get3A_118] : memref<5x2xf32, #tpu.memory_space<smem>>
    %add3A_120 = vector.broadcast %get3A_119 : f32 to vector<1x128xf32>
    %add3A_121 = arith.addf %add3A_116, %add3A_120 : vector<1x128xf32>
    %tanh3A_122 = math.tanh %add3A_121 : vector<1x128xf32>
    %mul3A_123 = arith.constant 0.707106769 : f32
    %mul3A_124 = vector.broadcast %mul3A_123 : f32 to vector<1x128xf32>
    %mul3A_125 = arith.mulf %tanh3A_122, %mul3A_124 : vector<1x128xf32>
    %get3A_126 = arith.constant 0 : index
    %get3A_127 = arith.constant 0 : index
    %get3A_128 = tpu.strided_load %arg0[%get3A_126, %get3A_127] {strides = array<i32: 2, 1>} : memref<16384x128xf32, #tpu.memory_space<vmem>>, vector<8192x128xf32>
    %get3A_129 = arith.constant 1 : index
    %get3A_130 = arith.constant 0 : index
    %get3A_131 = tpu.strided_load %arg0[%get3A_129, %get3A_130] {strides = array<i32: 2, 1>} : memref<16384x128xf32, #tpu.memory_space<vmem>>, vector<8192x128xf32>
    %mul3A_132 = vector.broadcast %mul3A_93 : vector<1x128xf32> to vector<8192x128xf32>
    %mul3A_133 = arith.mulf %get3A_128, %mul3A_132 : vector<8192x128xf32>
    %mul3A_134 = vector.broadcast %mul3A_125 : vector<1x128xf32> to vector<8192x128xf32>
    %mul3A_135 = arith.mulf %get3A_131, %mul3A_134 : vector<8192x128xf32>
    %add3A_136 = arith.addf %mul3A_133, %mul3A_135 : vector<8192x128xf32>
    %tanh3A_137 = math.tanh %add3A_136 : vector<8192x128xf32>
    %mul3A_138 = arith.constant 1.000000e+01 : f32
    %mul3A_139 = vector.broadcast %mul3A_138 : f32 to vector<8192x128xf32>
    %mul3A_140 = arith.mulf %mul3A_139, %tanh3A_137 : vector<8192x128xf32>
    %mul3A_141 = arith.mulf %slice3A, %mul3A_93 : vector<1x128xf32>
    %mul3A_142 = arith.mulf %slice3A_13, %mul3A_125 : vector<1x128xf32>
    %add3A_143 = arith.addf %mul3A_141, %mul3A_142 : vector<1x128xf32>
    %tanh3A_144 = math.tanh %add3A_143 : vector<1x128xf32>
    %mul3A_145 = arith.constant 1.000000e+01 : f32
    %mul3A_146 = vector.broadcast %mul3A_145 : f32 to vector<1x128xf32>
    %mul3A_147 = arith.mulf %mul3A_146, %tanh3A_144 : vector<1x128xf32>
    %iota3A_148 = tpu.iota {dimensions = array<i32: 0>} : vector<8193x1xi32>
    %get3A_149 = arith.constant 0 : index
    %get3A_150 = arith.constant 0 : index
    %get3A_151 = vector.load %arg3[%get3A_149, %get3A_150] : memref<8193x128xi8, #tpu.memory_space<vmem>>, vector<8193x128xi8>
    %ne3A = arith.constant 0 : i8
    %ne3A_152 = vector.broadcast %ne3A : i8 to vector<8193x128xi8>
    %ne3A_153 = arith.cmpi ne, %get3A_151, %ne3A_152 : vector<8193x128xi8>
    %get3A_154 = arith.constant 0 : index
    %get3A_155 = arith.constant 0 : index
    %get3A_156 = vector.load %arg2[%get3A_154, %get3A_155] : memref<8193x128xf32, #tpu.memory_space<vmem>>, vector<8193x128xf32>
    %gt3A = vector.broadcast %sub3A : vector<1x128xf32> to vector<8193x128xf32>
    %gt3A_157 = arith.cmpf ogt, %get3A_156, %gt3A : vector<8193x128xf32>
    %or3A = arith.ori %ne3A_153, %gt3A_157 : vector<8193x128xi1>
    %convert_element_type3A = arith.extui %or3A : vector<8193x128xi1> to vector<8193x128xi32>
    %ge3A = arith.constant 1 : i32
    %ge3A_158 = vector.broadcast %ge3A : i32 to vector<8193x1xi32>
    %ge3A_159 = arith.cmpi sge, %iota3A_148, %ge3A_158 : vector<8193x1xi32>
    %sub3A_160 = arith.constant 1 : i32
    %sub3A_161 = vector.broadcast %sub3A_160 : i32 to vector<8193x128xi32>
    %sub3A_162 = arith.subi %sub3A_161, %convert_element_type3A : vector<8193x128xi32>
    %jit3A_163 = arith.constant 0 : i32
    %broadcast_in_dim3A_164 = vector.shape_cast %ge3A_159 : vector<8193x1xi1> to vector<8193x1xi1>
    %broadcast_in_dim3A_165 = vector.broadcast %broadcast_in_dim3A_164 : vector<8193x1xi1> to vector<8193x128xi1>
    %broadcast_in_dim3A_166 = vector.broadcast %jit3A_163 : i32 to vector<8193x128xi32>
    %select_n3A_167 = arith.select %broadcast_in_dim3A_165, %sub3A_162, %broadcast_in_dim3A_166 : vector<8193x128xi1>, vector<8193x128xi32>
    %reduce_max3A = arith.constant dense<-2147483648> : vector<128xi32>
    %reduce_max3A_168 = vector.multi_reduction <maxsi>, %select_n3A_167, %reduce_max3A [0] : vector<8193x128xi32> to vector<128xi32>
    %broadcast_in_dim3A_169 = vector.shape_cast %reduce_max3A_168 : vector<128xi32> to vector<1x128xi32>
    %gt3A_170 = arith.constant 0 : i32
    %gt3A_171 = vector.broadcast %gt3A_170 : i32 to vector<1x128xi32>
    %gt3A_172 = arith.cmpi sgt, %broadcast_in_dim3A_169, %gt3A_171 : vector<1x128xi32>
    %and3A = arith.andi %eq3A_9, %gt3A_172 : vector<1x128xi1>
    %jit3A_173 = arith.constant 1 : i32
    %jit3A_174 = arith.constant 0 : i32
    %broadcast_in_dim3A_175 = vector.broadcast %jit3A_173 : i32 to vector<1x128xi32>
    %broadcast_in_dim3A_176 = vector.broadcast %jit3A_174 : i32 to vector<1x128xi32>
    %select_n3A_177 = arith.select %and3A, %broadcast_in_dim3A_175, %broadcast_in_dim3A_176 : vector<1x128xi1>, vector<1x128xi32>
    %eq3A_178 = arith.constant 0 : i32
    %eq3A_179 = vector.broadcast %eq3A_178 : i32 to vector<8193x1xi32>
    %eq3A_180 = arith.cmpi eq, %iota3A_148, %eq3A_179 : vector<8193x1xi32>
    %broadcast_in_dim3A_181 = vector.shape_cast %eq3A_180 : vector<8193x1xi1> to vector<8193x1xi1>
    %broadcast_in_dim3A_182 = vector.broadcast %broadcast_in_dim3A_181 : vector<8193x1xi1> to vector<8193x128xi1>
    %broadcast_in_dim3A_183 = vector.shape_cast %select_n3A_177 : vector<1x128xi32> to vector<1x128xi32>
    %broadcast_in_dim3A_184 = vector.broadcast %broadcast_in_dim3A_183 : vector<1x128xi32> to vector<8193x128xi32>
    %select_n3A_185 = arith.select %broadcast_in_dim3A_182, %broadcast_in_dim3A_184, %convert_element_type3A : vector<8193x128xi1>, vector<8193x128xi32>
    %get3A_186 = arith.constant 0 : index
    %get3A_187 = arith.constant 0 : index
    %get3A_188 = vector.load %arg4[%get3A_186, %get3A_187] : memref<16x128xi32, #tpu.memory_space<vmem>>, vector<16x128xi32>
    %iota3A_189 = tpu.iota {dimensions = array<i32: 0>} : vector<8192x1xi32>
    %slice3A_190 = vector.extract_strided_slice %get3A_188 {offsets = [0, 0], sizes = [1, 128], strides = [1, 1]} : vector<16x128xi32> to vector<1x128xi32>
    %eq3A_191 = vector.broadcast %iota3A_189 : vector<8192x1xi32> to vector<8192x128xi32>
    %eq3A_192 = vector.broadcast %slice3A_190 : vector<1x128xi32> to vector<8192x128xi32>
    %eq3A_193 = arith.cmpi eq, %eq3A_191, %eq3A_192 : vector<8192x128xi32>
    %slice3A_194 = vector.extract_strided_slice %get3A_188 {offsets = [0, 0], sizes = [1, 128], strides = [1, 1]} : vector<16x128xi32> to vector<1x128xi32>
    %eq3A_195 = arith.constant 8192 : i32
    %eq3A_196 = vector.broadcast %eq3A_195 : i32 to vector<1x128xi32>
    %eq3A_197 = arith.cmpi eq, %slice3A_194, %eq3A_196 : vector<1x128xi32>
    %slice3A_198 = vector.extract_strided_slice %get3A_188 {offsets = [1, 0], sizes = [1, 128], strides = [1, 1]} : vector<16x128xi32> to vector<1x128xi32>
    %eq3A_199 = vector.broadcast %iota3A_189 : vector<8192x1xi32> to vector<8192x128xi32>
    %eq3A_200 = vector.broadcast %slice3A_198 : vector<1x128xi32> to vector<8192x128xi32>
    %eq3A_201 = arith.cmpi eq, %eq3A_199, %eq3A_200 : vector<8192x128xi32>
    %or3A_202 = arith.ori %eq3A_193, %eq3A_201 : vector<8192x128xi1>
    %slice3A_203 = vector.extract_strided_slice %get3A_188 {offsets = [1, 0], sizes = [1, 128], strides = [1, 1]} : vector<16x128xi32> to vector<1x128xi32>
    %eq3A_204 = arith.constant 8192 : i32
    %eq3A_205 = vector.broadcast %eq3A_204 : i32 to vector<1x128xi32>
    %eq3A_206 = arith.cmpi eq, %slice3A_203, %eq3A_205 : vector<1x128xi32>
    %or3A_207 = arith.ori %eq3A_197, %eq3A_206 : vector<1x128xi1>
    %slice3A_208 = vector.extract_strided_slice %get3A_188 {offsets = [2, 0], sizes = [1, 128], strides = [1, 1]} : vector<16x128xi32> to vector<1x128xi32>
    %eq3A_209 = vector.broadcast %iota3A_189 : vector<8192x1xi32> to vector<8192x128xi32>
    %eq3A_210 = vector.broadcast %slice3A_208 : vector<1x128xi32> to vector<8192x128xi32>
    %eq3A_211 = arith.cmpi eq, %eq3A_209, %eq3A_210 : vector<8192x128xi32>
    %or3A_212 = arith.ori %or3A_202, %eq3A_211 : vector<8192x128xi1>
    %slice3A_213 = vector.extract_strided_slice %get3A_188 {offsets = [2, 0], sizes = [1, 128], strides = [1, 1]} : vector<16x128xi32> to vector<1x128xi32>
    %eq3A_214 = arith.constant 8192 : i32
    %eq3A_215 = vector.broadcast %eq3A_214 : i32 to vector<1x128xi32>
    %eq3A_216 = arith.cmpi eq, %slice3A_213, %eq3A_215 : vector<1x128xi32>
    %or3A_217 = arith.ori %or3A_207, %eq3A_216 : vector<1x128xi1>
    %slice3A_218 = vector.extract_strided_slice %get3A_188 {offsets = [3, 0], sizes = [1, 128], strides = [1, 1]} : vector<16x128xi32> to vector<1x128xi32>
    %eq3A_219 = vector.broadcast %iota3A_189 : vector<8192x1xi32> to vector<8192x128xi32>
    %eq3A_220 = vector.broadcast %slice3A_218 : vector<1x128xi32> to vector<8192x128xi32>
    %eq3A_221 = arith.cmpi eq, %eq3A_219, %eq3A_220 : vector<8192x128xi32>
    %or3A_222 = arith.ori %or3A_212, %eq3A_221 : vector<8192x128xi1>
    %slice3A_223 = vector.extract_strided_slice %get3A_188 {offsets = [3, 0], sizes = [1, 128], strides = [1, 1]} : vector<16x128xi32> to vector<1x128xi32>
    %eq3A_224 = arith.constant 8192 : i32
    %eq3A_225 = vector.broadcast %eq3A_224 : i32 to vector<1x128xi32>
    %eq3A_226 = arith.cmpi eq, %slice3A_223, %eq3A_225 : vector<1x128xi32>
    %or3A_227 = arith.ori %or3A_217, %eq3A_226 : vector<1x128xi1>
    %slice3A_228 = vector.extract_strided_slice %get3A_188 {offsets = [4, 0], sizes = [1, 128], strides = [1, 1]} : vector<16x128xi32> to vector<1x128xi32>
    %eq3A_229 = vector.broadcast %iota3A_189 : vector<8192x1xi32> to vector<8192x128xi32>
    %eq3A_230 = vector.broadcast %slice3A_228 : vector<1x128xi32> to vector<8192x128xi32>
    %eq3A_231 = arith.cmpi eq, %eq3A_229, %eq3A_230 : vector<8192x128xi32>
    %or3A_232 = arith.ori %or3A_222, %eq3A_231 : vector<8192x128xi1>
    %slice3A_233 = vector.extract_strided_slice %get3A_188 {offsets = [4, 0], sizes = [1, 128], strides = [1, 1]} : vector<16x128xi32> to vector<1x128xi32>
    %eq3A_234 = arith.constant 8192 : i32
    %eq3A_235 = vector.broadcast %eq3A_234 : i32 to vector<1x128xi32>
    %eq3A_236 = arith.cmpi eq, %slice3A_233, %eq3A_235 : vector<1x128xi32>
    %or3A_237 = arith.ori %or3A_227, %eq3A_236 : vector<1x128xi1>
    %slice3A_238 = vector.extract_strided_slice %get3A_188 {offsets = [5, 0], sizes = [1, 128], strides = [1, 1]} : vector<16x128xi32> to vector<1x128xi32>
    %eq3A_239 = vector.broadcast %iota3A_189 : vector<8192x1xi32> to vector<8192x128xi32>
    %eq3A_240 = vector.broadcast %slice3A_238 : vector<1x128xi32> to vector<8192x128xi32>
    %eq3A_241 = arith.cmpi eq, %eq3A_239, %eq3A_240 : vector<8192x128xi32>
    %or3A_242 = arith.ori %or3A_232, %eq3A_241 : vector<8192x128xi1>
    %slice3A_243 = vector.extract_strided_slice %get3A_188 {offsets = [5, 0], sizes = [1, 128], strides = [1, 1]} : vector<16x128xi32> to vector<1x128xi32>
    %eq3A_244 = arith.constant 8192 : i32
    %eq3A_245 = vector.broadcast %eq3A_244 : i32 to vector<1x128xi32>
    %eq3A_246 = arith.cmpi eq, %slice3A_243, %eq3A_245 : vector<1x128xi32>
    %or3A_247 = arith.ori %or3A_237, %eq3A_246 : vector<1x128xi1>
    %slice3A_248 = vector.extract_strided_slice %get3A_188 {offsets = [6, 0], sizes = [1, 128], strides = [1, 1]} : vector<16x128xi32> to vector<1x128xi32>
    %eq3A_249 = vector.broadcast %iota3A_189 : vector<8192x1xi32> to vector<8192x128xi32>
    %eq3A_250 = vector.broadcast %slice3A_248 : vector<1x128xi32> to vector<8192x128xi32>
    %eq3A_251 = arith.cmpi eq, %eq3A_249, %eq3A_250 : vector<8192x128xi32>
    %or3A_252 = arith.ori %or3A_242, %eq3A_251 : vector<8192x128xi1>
    %slice3A_253 = vector.extract_strided_slice %get3A_188 {offsets = [6, 0], sizes = [1, 128], strides = [1, 1]} : vector<16x128xi32> to vector<1x128xi32>
    %eq3A_254 = arith.constant 8192 : i32
    %eq3A_255 = vector.broadcast %eq3A_254 : i32 to vector<1x128xi32>
    %eq3A_256 = arith.cmpi eq, %slice3A_253, %eq3A_255 : vector<1x128xi32>
    %or3A_257 = arith.ori %or3A_247, %eq3A_256 : vector<1x128xi1>
    %slice3A_258 = vector.extract_strided_slice %get3A_188 {offsets = [7, 0], sizes = [1, 128], strides = [1, 1]} : vector<16x128xi32> to vector<1x128xi32>
    %eq3A_259 = vector.broadcast %iota3A_189 : vector<8192x1xi32> to vector<8192x128xi32>
    %eq3A_260 = vector.broadcast %slice3A_258 : vector<1x128xi32> to vector<8192x128xi32>
    %eq3A_261 = arith.cmpi eq, %eq3A_259, %eq3A_260 : vector<8192x128xi32>
    %or3A_262 = arith.ori %or3A_252, %eq3A_261 : vector<8192x128xi1>
    %slice3A_263 = vector.extract_strided_slice %get3A_188 {offsets = [7, 0], sizes = [1, 128], strides = [1, 1]} : vector<16x128xi32> to vector<1x128xi32>
    %eq3A_264 = arith.constant 8192 : i32
    %eq3A_265 = vector.broadcast %eq3A_264 : i32 to vector<1x128xi32>
    %eq3A_266 = arith.cmpi eq, %slice3A_263, %eq3A_265 : vector<1x128xi32>
    %or3A_267 = arith.ori %or3A_257, %eq3A_266 : vector<1x128xi1>
    %slice3A_268 = vector.extract_strided_slice %get3A_188 {offsets = [8, 0], sizes = [1, 128], strides = [1, 1]} : vector<16x128xi32> to vector<1x128xi32>
    %eq3A_269 = vector.broadcast %iota3A_189 : vector<8192x1xi32> to vector<8192x128xi32>
    %eq3A_270 = vector.broadcast %slice3A_268 : vector<1x128xi32> to vector<8192x128xi32>
    %eq3A_271 = arith.cmpi eq, %eq3A_269, %eq3A_270 : vector<8192x128xi32>
    %or3A_272 = arith.ori %or3A_262, %eq3A_271 : vector<8192x128xi1>
    %slice3A_273 = vector.extract_strided_slice %get3A_188 {offsets = [8, 0], sizes = [1, 128], strides = [1, 1]} : vector<16x128xi32> to vector<1x128xi32>
    %eq3A_274 = arith.constant 8192 : i32
    %eq3A_275 = vector.broadcast %eq3A_274 : i32 to vector<1x128xi32>
    %eq3A_276 = arith.cmpi eq, %slice3A_273, %eq3A_275 : vector<1x128xi32>
    %or3A_277 = arith.ori %or3A_267, %eq3A_276 : vector<1x128xi1>
    %slice3A_278 = vector.extract_strided_slice %get3A_188 {offsets = [9, 0], sizes = [1, 128], strides = [1, 1]} : vector<16x128xi32> to vector<1x128xi32>
    %eq3A_279 = vector.broadcast %iota3A_189 : vector<8192x1xi32> to vector<8192x128xi32>
    %eq3A_280 = vector.broadcast %slice3A_278 : vector<1x128xi32> to vector<8192x128xi32>
    %eq3A_281 = arith.cmpi eq, %eq3A_279, %eq3A_280 : vector<8192x128xi32>
    %or3A_282 = arith.ori %or3A_272, %eq3A_281 : vector<8192x128xi1>
    %slice3A_283 = vector.extract_strided_slice %get3A_188 {offsets = [9, 0], sizes = [1, 128], strides = [1, 1]} : vector<16x128xi32> to vector<1x128xi32>
    %eq3A_284 = arith.constant 8192 : i32
    %eq3A_285 = vector.broadcast %eq3A_284 : i32 to vector<1x128xi32>
    %eq3A_286 = arith.cmpi eq, %slice3A_283, %eq3A_285 : vector<1x128xi32>
    %or3A_287 = arith.ori %or3A_277, %eq3A_286 : vector<1x128xi1>
    %slice3A_288 = vector.extract_strided_slice %get3A_188 {offsets = [10, 0], sizes = [1, 128], strides = [1, 1]} : vector<16x128xi32> to vector<1x128xi32>
    %eq3A_289 = vector.broadcast %iota3A_189 : vector<8192x1xi32> to vector<8192x128xi32>
    %eq3A_290 = vector.broadcast %slice3A_288 : vector<1x128xi32> to vector<8192x128xi32>
    %eq3A_291 = arith.cmpi eq, %eq3A_289, %eq3A_290 : vector<8192x128xi32>
    %or3A_292 = arith.ori %or3A_282, %eq3A_291 : vector<8192x128xi1>
    %slice3A_293 = vector.extract_strided_slice %get3A_188 {offsets = [10, 0], sizes = [1, 128], strides = [1, 1]} : vector<16x128xi32> to vector<1x128xi32>
    %eq3A_294 = arith.constant 8192 : i32
    %eq3A_295 = vector.broadcast %eq3A_294 : i32 to vector<1x128xi32>
    %eq3A_296 = arith.cmpi eq, %slice3A_293, %eq3A_295 : vector<1x128xi32>
    %or3A_297 = arith.ori %or3A_287, %eq3A_296 : vector<1x128xi1>
    %slice3A_298 = vector.extract_strided_slice %get3A_188 {offsets = [11, 0], sizes = [1, 128], strides = [1, 1]} : vector<16x128xi32> to vector<1x128xi32>
    %eq3A_299 = vector.broadcast %iota3A_189 : vector<8192x1xi32> to vector<8192x128xi32>
    %eq3A_300 = vector.broadcast %slice3A_298 : vector<1x128xi32> to vector<8192x128xi32>
    %eq3A_301 = arith.cmpi eq, %eq3A_299, %eq3A_300 : vector<8192x128xi32>
    %or3A_302 = arith.ori %or3A_292, %eq3A_301 : vector<8192x128xi1>
    %slice3A_303 = vector.extract_strided_slice %get3A_188 {offsets = [11, 0], sizes = [1, 128], strides = [1, 1]} : vector<16x128xi32> to vector<1x128xi32>
    %eq3A_304 = arith.constant 8192 : i32
    %eq3A_305 = vector.broadcast %eq3A_304 : i32 to vector<1x128xi32>
    %eq3A_306 = arith.cmpi eq, %slice3A_303, %eq3A_305 : vector<1x128xi32>
    %or3A_307 = arith.ori %or3A_297, %eq3A_306 : vector<1x128xi1>
    %slice3A_308 = vector.extract_strided_slice %get3A_188 {offsets = [12, 0], sizes = [1, 128], strides = [1, 1]} : vector<16x128xi32> to vector<1x128xi32>
    %eq3A_309 = vector.broadcast %iota3A_189 : vector<8192x1xi32> to vector<8192x128xi32>
    %eq3A_310 = vector.broadcast %slice3A_308 : vector<1x128xi32> to vector<8192x128xi32>
    %eq3A_311 = arith.cmpi eq, %eq3A_309, %eq3A_310 : vector<8192x128xi32>
    %or3A_312 = arith.ori %or3A_302, %eq3A_311 : vector<8192x128xi1>
    %slice3A_313 = vector.extract_strided_slice %get3A_188 {offsets = [12, 0], sizes = [1, 128], strides = [1, 1]} : vector<16x128xi32> to vector<1x128xi32>
    %eq3A_314 = arith.constant 8192 : i32
    %eq3A_315 = vector.broadcast %eq3A_314 : i32 to vector<1x128xi32>
    %eq3A_316 = arith.cmpi eq, %slice3A_313, %eq3A_315 : vector<1x128xi32>
    %or3A_317 = arith.ori %or3A_307, %eq3A_316 : vector<1x128xi1>
    %slice3A_318 = vector.extract_strided_slice %get3A_188 {offsets = [13, 0], sizes = [1, 128], strides = [1, 1]} : vector<16x128xi32> to vector<1x128xi32>
    %eq3A_319 = vector.broadcast %iota3A_189 : vector<8192x1xi32> to vector<8192x128xi32>
    %eq3A_320 = vector.broadcast %slice3A_318 : vector<1x128xi32> to vector<8192x128xi32>
    %eq3A_321 = arith.cmpi eq, %eq3A_319, %eq3A_320 : vector<8192x128xi32>
    %or3A_322 = arith.ori %or3A_312, %eq3A_321 : vector<8192x128xi1>
    %slice3A_323 = vector.extract_strided_slice %get3A_188 {offsets = [13, 0], sizes = [1, 128], strides = [1, 1]} : vector<16x128xi32> to vector<1x128xi32>
    %eq3A_324 = arith.constant 8192 : i32
    %eq3A_325 = vector.broadcast %eq3A_324 : i32 to vector<1x128xi32>
    %eq3A_326 = arith.cmpi eq, %slice3A_323, %eq3A_325 : vector<1x128xi32>
    %or3A_327 = arith.ori %or3A_317, %eq3A_326 : vector<1x128xi1>
    %slice3A_328 = vector.extract_strided_slice %get3A_188 {offsets = [14, 0], sizes = [1, 128], strides = [1, 1]} : vector<16x128xi32> to vector<1x128xi32>
    %eq3A_329 = vector.broadcast %iota3A_189 : vector<8192x1xi32> to vector<8192x128xi32>
    %eq3A_330 = vector.broadcast %slice3A_328 : vector<1x128xi32> to vector<8192x128xi32>
    %eq3A_331 = arith.cmpi eq, %eq3A_329, %eq3A_330 : vector<8192x128xi32>
    %or3A_332 = arith.ori %or3A_322, %eq3A_331 : vector<8192x128xi1>
    %slice3A_333 = vector.extract_strided_slice %get3A_188 {offsets = [14, 0], sizes = [1, 128], strides = [1, 1]} : vector<16x128xi32> to vector<1x128xi32>
    %eq3A_334 = arith.constant 8192 : i32
    %eq3A_335 = vector.broadcast %eq3A_334 : i32 to vector<1x128xi32>
    %eq3A_336 = arith.cmpi eq, %slice3A_333, %eq3A_335 : vector<1x128xi32>
    %or3A_337 = arith.ori %or3A_327, %eq3A_336 : vector<1x128xi1>
    %slice3A_338 = vector.extract_strided_slice %get3A_188 {offsets = [15, 0], sizes = [1, 128], strides = [1, 1]} : vector<16x128xi32> to vector<1x128xi32>
    %eq3A_339 = vector.broadcast %iota3A_189 : vector<8192x1xi32> to vector<8192x128xi32>
    %eq3A_340 = vector.broadcast %slice3A_338 : vector<1x128xi32> to vector<8192x128xi32>
    %eq3A_341 = arith.cmpi eq, %eq3A_339, %eq3A_340 : vector<8192x128xi32>
    %or3A_342 = arith.ori %or3A_332, %eq3A_341 : vector<8192x128xi1>
    %slice3A_343 = vector.extract_strided_slice %get3A_188 {offsets = [15, 0], sizes = [1, 128], strides = [1, 1]} : vector<16x128xi32> to vector<1x128xi32>
    %eq3A_344 = arith.constant 8192 : i32
    %eq3A_345 = vector.broadcast %eq3A_344 : i32 to vector<1x128xi32>
    %eq3A_346 = arith.cmpi eq, %slice3A_343, %eq3A_345 : vector<1x128xi32>
    %or3A_347 = arith.ori %or3A_337, %eq3A_346 : vector<1x128xi1>
    %sub3A_348 = arith.constant 1.000000e+00 : f32
    %sub3A_349 = arith.subf %sub3A_348, %get3A_62 : f32
    %mul3A_350 = vector.broadcast %sub3A_349 : f32 to vector<8192x128xf32>
    %mul3A_351 = arith.mulf %mul3A_350, %mul3A_140 : vector<8192x128xf32>
    %jit3A_352 = arith.constant 0.000000e+00 : f32
    %broadcast_in_dim3A_353 = vector.broadcast %get3A_62 : f32 to vector<8192x128xf32>
    %broadcast_in_dim3A_354 = vector.broadcast %jit3A_352 : f32 to vector<8192x128xf32>
    %select_n3A_355 = arith.select %or3A_342, %broadcast_in_dim3A_353, %broadcast_in_dim3A_354 : vector<8192x128xi1>, vector<8192x128xf32>
    %add3A_356 = arith.addf %mul3A_351, %select_n3A_355 : vector<8192x128xf32>
    %sub3A_357 = arith.constant 1.000000e+00 : f32
    %sub3A_358 = arith.subf %sub3A_357, %get3A_62 : f32
    %mul3A_359 = vector.broadcast %sub3A_358 : f32 to vector<1x128xf32>
    %mul3A_360 = arith.mulf %mul3A_359, %mul3A_147 : vector<1x128xf32>
    %jit3A_361 = arith.constant 0.000000e+00 : f32
    %broadcast_in_dim3A_362 = vector.broadcast %get3A_62 : f32 to vector<1x128xf32>
    %broadcast_in_dim3A_363 = vector.broadcast %jit3A_361 : f32 to vector<1x128xf32>
    %select_n3A_364 = arith.select %or3A_347, %broadcast_in_dim3A_362, %broadcast_in_dim3A_363 : vector<1x128xi1>, vector<1x128xf32>
    %add3A_365 = arith.addf %mul3A_360, %select_n3A_364 : vector<1x128xf32>
    %slice3A_366 = vector.extract_strided_slice %select_n3A_185 {offsets = [0, 0], sizes = [8192, 128], strides = [1, 1]} : vector<8193x128xi32> to vector<8192x128xi32>
    %gt3A_367 = arith.constant 0 : i32
    %gt3A_368 = vector.broadcast %gt3A_367 : i32 to vector<8192x128xi32>
    %gt3A_369 = arith.cmpi sgt, %slice3A_366, %gt3A_368 : vector<8192x128xi32>
    %jit3A_370 = arith.constant -1.000000e+09 : f32
    %broadcast_in_dim3A_371 = vector.broadcast %jit3A_370 : f32 to vector<8192x128xf32>
    %select_n3A_372 = arith.select %gt3A_369, %broadcast_in_dim3A_371, %add3A_356 : vector<8192x128xi1>, vector<8192x128xf32>
    %slice3A_373 = vector.extract_strided_slice %select_n3A_185 {offsets = [8192, 0], sizes = [1, 128], strides = [1, 1]} : vector<8193x128xi32> to vector<1x128xi32>
    %gt3A_374 = arith.constant 0 : i32
    %gt3A_375 = vector.broadcast %gt3A_374 : i32 to vector<1x128xi32>
    %gt3A_376 = arith.cmpi sgt, %slice3A_373, %gt3A_375 : vector<1x128xi32>
    %jit3A_377 = arith.constant -1.000000e+09 : f32
    %broadcast_in_dim3A_378 = vector.broadcast %jit3A_377 : f32 to vector<1x128xf32>
    %select_n3A_379 = arith.select %gt3A_376, %broadcast_in_dim3A_378, %add3A_365 : vector<1x128xi1>, vector<1x128xf32>
    %exp3A = math.exp %select_n3A_372 : vector<8192x128xf32>
    %reduce_sum3A_380 = arith.constant dense<0.000000e+00> : vector<128xf32>
    %reduce_sum3A_381 = vector.multi_reduction <add>, %exp3A, %reduce_sum3A_380 [0] : vector<8192x128xf32> to vector<128xf32>
    %broadcast_in_dim3A_382 = vector.shape_cast %reduce_sum3A_381 : vector<128xf32> to vector<1x128xf32>
    %exp3A_383 = math.exp %select_n3A_379 : vector<1x128xf32>
    %add3A_384 = arith.addf %broadcast_in_dim3A_382, %exp3A_383 : vector<1x128xf32>
    %log3A = math.log %add3A_384 : vector<1x128xf32>
    %sub3A_385 = vector.broadcast %log3A : vector<1x128xf32> to vector<8192x128xf32>
    %sub3A_386 = arith.subf %select_n3A_372, %sub3A_385 : vector<8192x128xf32>
    %swap3A = arith.constant 0 : index
    %swap3A_387 = arith.constant 0 : index
    %swap3A_388 = vector.load %arg10[%swap3A, %swap3A_387] : memref<8193x128xf32, #tpu.memory_space<vmem>>, vector<8192x128xf32>
    tpu.vector_store %arg10[%swap3A, %swap3A_387], %sub3A_386 {strides = array<i32>} : memref<8193x128xf32, #tpu.memory_space<vmem>>, vector<8192x128xf32>,
    %sub3A_389 = arith.subf %select_n3A_379, %log3A : vector<1x128xf32>
    %swap3A_390 = arith.constant 8192 : index
    %swap3A_391 = arith.constant 0 : index
    %swap3A_392 = vector.load %arg10[%swap3A_390, %swap3A_391] : memref<8193x128xf32, #tpu.memory_space<vmem>>, vector<1x128xf32>
    tpu.vector_store %arg10[%swap3A_390, %swap3A_391], %sub3A_389 {strides = array<i32>} : memref<8193x128xf32, #tpu.memory_space<vmem>>, vector<1x128xf32>,
    %swap3A_393 = arith.constant 0 : index
    %swap3A_394 = arith.constant 0 : index
    %swap3A_395 = vector.load %arg11[%swap3A_393, %swap3A_394] : memref<8193x128xi32, #tpu.memory_space<vmem>>, vector<8193x128xi32>
    tpu.vector_store %arg11[%swap3A_393, %swap3A_394], %select_n3A_185 {strides = array<i32>} : memref<8193x128xi32, #tpu.memory_space<vmem>>, vector<8193x128xi32>,
    return
  }
}

</mosaic_0001>

<sc_bundles>
// kernel: kernel.4.cloned.1.call-start
scs
__scs_entry_jumppad:
0x0: {  	(pc) =	sbr.rel $0x88, $3  }
0x1: {  	(tag) =	ssettag $0x0;
	lr =	simm.s32 $0x1  }
0x2: {  	[smem:$0x3F95] =	sst lr;
	_ =	strace $0xD0000000  }
0x3: {  	_ = 	snop  }
0x4: {  	_ = 	snop  }
0x5: {  	_ = 	snop  }
0x6: {  	_ = 	snop  }
0x7: {  	_ = 	snop  }
__scs_overlays_trampoline_lowered:
0x8: {  	[smem:$0x3FA4] =	sst s0  }
0x9: {  	[smem:$0x3FA5] =	sst s1  }
0xa: {  	[smem:$0x3FA6] =	sst s2  }
0xb: {  	[smem:$0x3FA7] =	sst s3  }
0xc: {  	[smem:$0x3FA8] =	sst s4  }
0xd: {  	[smem:$0x3FA9] =	sst s5  }
0xe: {  	[smem:$0x3FAA] =	sst s6  }
0xf: {  	[smem:$0x3FAB] =	sst s7  }
0x10: {  	[smem:$0x3FAC] =	sst s8  }
0x11: {  	[smem:$0x3FAD] =	sst s9;
	s0 =	simm.s32 @!p0 $0x0  }
0x12: {  	s1 =	sld [smem:$0x3F93];
	s0 =	simm.s32 @p0 $0x1  }
0x13: {  	[smem:$0x3FAE] =	sst s0;
	s0 =	simm.s32 @!p1 $0x0  }
0x14: {  	s2 =	sld [smem:$0x3F92];
	s0 =	simm.s32 @p1 $0x1  }
0x15: {  	[smem:$0x3FAF] =	sst s0;
	s0 =	simm.s32 @!p2 $0x0  }
0x16: {  	s3 =	sld [smem:$0x3FDB];
	s0 =	simm.s32 @p2 $0x1  }
0x17: {  	s4 =	simm.s32 $0x1BF5;
	[smem:$0x3FB1] =	sst s0  }
0x18: {  	s0 =	sld [smem:$0x3F94];
	_ =	swait.ge [sflag:s4], $0x0  }
0x19: {  	s7 =	sld [smem:$0x3F95]  }
0x1a: {  	s8 =	sadd.s32 $0xFFFFE003, lr  }
0x1b: {  	s9 =	sadd.s32 $0xFFFFFEF7, lr;
	s5 =	simm.s32 $0xFFFFFFFF;
	p2 =	slt.u32 s8, $0xFFFFF086  }
0x1c: {  	p1 =	slt.u32 s9, $0xF7A;
	s5 =	simm.s32 @!p2 $0x0  }
0x1d: {  	s5 =	simm.s32 @p1 $0x1;
	p0 =	seq.s32 s7, s2  }
0x1e: {  	s7 =	smul.u32 @!p0 $0xF7A, s2;
	p2 =	seq.s32 @!p0 s5, $0x0  }
0x1f: {  	s9 =	smul.u32 $0xF7A, s1;
	s8 =	simm.s32 @!p0 $0x1BF5;
	p2 =	por !p2, p0  }
0x20: {  	[sflag:s8] =	ssyncset.s32 @!p0 $0xFFFFF086;
	s6 =	sadd.s32 @!p0 s3, s7;
	s7 =	simm.s32 @!p0 $0x108  }
0x21: {  	s3 =	sadd.s32 s3, s9;
	s6 =	sadd.s32 @!p0 $0x88, s6;
	s7 =	simm.s32 @p2 $0x1082  }
0x22: {  	[simem:s7], [sflag:s8] =	dma.local @!p0 [hbm:s6], $0xF7A  }
0x23: {  	s9 =	sor.u32 $0xD0000000, s2;
	s6 =	simm.s32 $0x108;
	_ =	swait.ge @!p0 [sflag:s8], $0x0  }
0x24: {  	s3 =	sadd.s32 $0x88, s3;
	s6 =	simm.s32 @!p1 $0x1082;
	[sflag:s4] =	ssyncset.s32 $0xFFFFF086  }
0x25: {  	[simem:s6], [sflag:s4] =	dma.local [hbm:s3], $0xF7A  }
0x26: {  	[smem:$0x3F95] =	sst s1;
	(tag) =	ssettag s2;
	_ =	strace s9  }
0x27: {  	s1 =	sld [smem:$0x3FA5]  }
0x28: {  	s2 =	sld [smem:$0x3FA6]  }
0x29: {  	s4 =	sld [smem:$0x3FA8]  }
0x2a: {  	p0 =	seq.s32 s5, $0x0;
	s5 =	sld [smem:$0x3FA9]  }
0x2b: {  	s6 =	sld [smem:$0x3FAA]  }
0x2c: {  	s7 =	sld [smem:$0x3FAB]  }
0x2d: {  	s3 =	simm.s32 $0x108;
	s8 =	sld [smem:$0x3FAC]  }
0x2e: {  	s3 =	simm.s32 @!p0 $0x1082;
	s9 =	sld [smem:$0x3FAD]  }
0x2f: {  	lr =	sadd.s32 s0, s3;
	s0 =	sld [smem:$0x3FA4]  }
0x30: {  	s3 =	sld [smem:$0x3FA7]  }
0x31: {  	[smem:$0x3FB0] =	sst s10  }
0x32: {  	s10 =	sld [smem:$0x3FAE];
	_ =	sdelay $0x3  }
0x33: {  	p0 =	seq.s32 s10, $0x1;
	s10 =	sld [smem:$0x3FB0];
	_ =	sdelay $0x3  }
0x34: {  	[smem:$0x3FB0] =	sst s10  }
0x35: {  	s10 =	sld [smem:$0x3FAF];
	_ =	sdelay $0x3  }
0x36: {  	p1 =	seq.s32 s10, $0x1;
	s10 =	sld [smem:$0x3FB0];
	_ =	sdelay $0x3  }
0x37: {  	[smem:$0x3FB0] =	sst s10  }
0x38: {  	s10 =	sld [smem:$0x3FB1]  }
0x39: {  	_ = 	snop;
	(pc) =	sbr.ind lr, $3  }
0x3a: {  	_ = 	snop  }
0x3b: {  	_ = 	snop  }
0x3c: {  	p2 =	seq.s32 s10, $0x1;
	s10 =	sld [smem:$0x3FB0]  }
0x3d: {  	_ =	shalt  }
0x3e: {  	_ =	shalt  }
0x3f: {  	_ =	shalt  }
0x40: {  	_ =	shalt  }
0x41: {  	_ =	shalt  }
0x42: {  	_ =	shalt  }
0x43: {  	_ =	shalt  }
0x44: {  	_ =	shalt  }
0x45: {  	_ =	shalt  }
0x46: {  	_ =	shalt  }
0x47: {  	_ =	shalt  }
0x48: {  	_ =	shalt  }
0x49: {  	_ =	shalt  }
0x4a: {  	_ =	shalt  }
0x4b: {  	_ =	shalt  }
0x4c: {  	_ =	shalt  }
0x4d: {  	_ =	shalt  }
0x4e: {  	_ =	shalt  }
0x4f: {  	_ =	shalt  }
0x50: {  	_ =	shalt  }
0x51: {  	_ =	shalt  }
0x52: {  	_ =	shalt  }
0x53: {  	_ =	shalt  }
0x54: {  	_ =	shalt  }
0x55: {  	_ =	shalt  }
0x56: {  	_ =	shalt  }
0x57: {  	_ =	shalt  }
0x58: {  	_ =	shalt  }
0x59: {  	_ =	shalt  }
0x5a: {  	_ =	shalt  }
0x5b: {  	_ =	shalt  }
0x5c: {  	_ =	shalt  }
0x5d: {  	_ =	shalt  }
0x5e: {  	_ =	shalt  }
0x5f: {  	_ =	shalt  }
0x60: {  	_ =	shalt  }
0x61: {  	_ =	shalt  }
0x62: {  	_ =	shalt  }
0x63: {  	_ =	shalt  }
0x64: {  	_ =	shalt  }
0x65: {  	_ =	shalt  }
0x66: {  	_ =	shalt  }
0x67: {  	_ =	shalt  }
0x68: {  	_ =	shalt  }
0x69: {  	_ =	shalt  }
0x6a: {  	_ =	shalt  }
0x6b: {  	_ =	shalt  }
0x6c: {  	_ =	shalt  }
0x6d: {  	_ =	shalt  }
0x6e: {  	_ =	shalt  }
0x6f: {  	_ =	shalt  }
0x70: {  	_ =	shalt  }
0x71: {  	_ =	shalt  }
0x72: {  	_ =	shalt  }
0x73: {  	_ =	shalt  }
0x74: {  	_ =	shalt  }
0x75: {  	_ =	shalt  }
0x76: {  	_ =	shalt  }
0x77: {  	_ =	shalt  }
0x78: {  	_ =	shalt  }
0x79: {  	_ =	shalt  }
0x7a: {  	_ =	shalt  }
0x7b: {  	_ =	shalt  }
0x7c: {  	_ =	shalt  }
0x7d: {  	_ =	shalt  }
0x7e: {  	_ =	shalt  }
0x7f: {  	_ =	shalt  }
0x80: {  	_ =	shalt  }
0x81: {  	_ =	shalt  }
0x82: {  	_ =	shalt  }
0x83: {  	_ =	shalt  }
0x84: {  	_ =	shalt  }
0x85: {  	_ =	shalt  }
0x86: {  	_ =	shalt  }
0x87: {  	_ =	shalt  }
.Lfunc_end0:
.L_simem_size_0:
called_computation_lowered:
.L_overlay_start_0:
0x88: {  	s2 =	sld [smem:$0x3FD9]  }
0x89: {  	s3 =	sld [smem:$0x3FFE];
	_ =	sdelay $0x1  }
0x8a: {  	s1 =	srdreg.scid  }
0x8b: {  	s0 =	sand.u32 $0x1, s1  }
0x8c: {  	s15 =	sshll.u32 s0, $0xA;
	s2 =	sadd.s32 s3, s2  }
0x8d: {  	s2 =	sadd.s32 s2, s15  }
0x8e: {  	[smem:$0x3FBC] =	sst s2  }
0x8f: {  	_ = 	snop  }
0x90: {  	s2 =	sld [smem:$0x3FD0];
	_ =	sdelay $0x1  }
0x91: {  	s16 =	sld [smem:$0x3FC8]  }
0x92: {  	s5 =	simm.s32 $0xA;
	s6 =	simm.s32 $0x10;
	s4 =	sld [smem:$0x3FC3]  }
0x93: {  	[smem:s6], [sflag:s5] =	dma.local [hbm:s2], $0x1  }
0x94: {  	_ =	swait.eq [sflag:s5], $0x1  }
0x95: {  	[sflag:s5] =	ssyncset.done $0x0  }
0x96: {  	[sflag:s5] =	ssyncadd.s32 $0xFFFFFFFF  }
0x97: {  	s17 =	sld [smem:$0x11];
	(tm) =	ssettm $0x1  }
0x98: {  	s18 =	sld [smem:$0x3FFB];
	_ =	sdelay $0x3  }
0x99: {  	_ =	strace s18  }
0x9a: {  	s5 =	sld [smem:$0x3FFC];
	_ =	sdelay $0x3  }
0x9b: {  	_ =	strace s5  }
0x9c: {  	s5 =	sld [smem:$0x3FFD];
	_ =	sdelay $0x3  }
0x9d: {  	_ =	strace s5  }
0x9e: {  	_ =	strace $0x8FFFFFFF  }
0x9f: {  	s19 =	sld [smem:$0x3FDB];
	_ =	sdelay $0x1  }
0xa0: {  	s20 =	simm.s32 $_scs_section_size  }
0xa1: {  	s7 =	simm.s32 $_size__tile_overlayer_lowered;
	s8 =	simm.s32 $_tile_overlayer_lowered  }
0xa2: {  	s23 =	simm.s32 $0x1BFF;
	s22 =	sshll.u32 s8, $0x1;
	s5 =	sadd.s32 s20, s19  }
0xa3: {  	s9 =	simm.s32 $0x0;
	s21 =	sshll.u32 s7, $0x1;
	s7 =	sadd.s32 s22, s5  }
0xa4: {  	[timem:s9], [sflag:s23] =	dma.local [hbm:s7], s21  }
0xa5: {  	_ =	swait.ge [sflag:s23], s21  }
0xa6: {  	s6 =	ssub.s32 $0x0, s21;
	[sflag:s23] =	ssyncset.done $0x0  }
0xa7: {  	[sflag:s23] =	ssyncadd.s32 s6;
	_ =	sdelay $0x1  }
0xa8: {  	s24 =	simm.s32 $0x1B8B  }
0xa9: {  	_ =	swait.ge [sflag:s24], $0x1  }
0xaa: {  	[sflag:s24] =	ssyncset.done $0x0  }
0xab: {  	s25 =	simm.s32 $0x1B8E;
	[sflag:s24] =	ssyncadd.s32 $0xFFFFFFFF  }
0xac: {  	s26 =	simm.s32 $execute0_lowered;
	[smem:$0x3FD2] =	sst s25  }
0xad: {  	s6 =	sshll.u32 s26, $0x1;
	_ =	strace $0x80000046;
	[dreg:$0x1] =	wrdreg $0xFFFFFFFF  }
0xae: {  	s28 =	simm.s32 $_size_execute0_lowered;
	s5 =	sadd.s32 s5, s6;
	[dreg:$0x0] =	wrdreg $0x0  }
0xaf: {  	s6 =	sshll.u32 s28, $0x1;
	[dreg:$0x2] =	wrdreg s5  }
0xb0: {  	[dreg:$0x3] =	wrdreg s6  }
0xb1: {  	[dreg:$0x4] =	wrdreg $0xC0  }
0xb2: {  	_ =	task [dreg:s9], $0x5FFFF  }
0xb3: {  	[dreg:$0x1] =	wrdreg $0xFFFFFFFF  }
0xb4: {  	[dreg:$0x0] =	wrdreg $0x60  }
0xb5: {  	[dreg:$0x2] =	wrdreg s16  }
0xb6: {  	[dreg:$0x3] =	wrdreg s4  }
0xb7: {  	[dreg:$0x4] =	wrdreg s17  }
0xb8: {  	[dreg:$0x5] =	wrdreg $0x9  }
0xb9: {  	_ =	task.clear_ibuf [dreg:s9], $0x6FFFF;
	_ =	strace $0x90000046  }
0xba: {  	s29 =	simm.s32 $0x9;
	_ =	strace $0x80000048  }
0xbb: {  	_ =	swait.ge [sflag:s29], $0x1  }
0xbc: {  	[sflag:s29] =	ssyncadd.s32 $0xFFFFFFFF  }
0xbd: {  	_ =	strace $0x90000048  }
0xbe: {  	_ =	sfence  }
0xbf: {  	s30 =	sld [smem:$0x0];
	_ =	sdelay $0x2  }
0xc0: {  	s31 =	sshll.u32 s1, $0xD;
	s1 =	sshrl.u32 s1, $0x2  }
0xc1: {  	s3 =	sand.u32 $0x4000, s31;
	s1 =	sadd.s32 s1, s30  }
0xc2: {  	s0 =	sor.u32 s3, s0;
	s1 =	sshll.u32 s1, $0x11  }
0xc3: {  	s0 =	sor.u32 s1, s0  }
0xc4: {  	s0 =	sadd.s32 $0x8F2B, s0  }
0xc5: {  	[sflag:s0] =	ssyncadd.remote.s32 $0x1  }
0xc6: {  	_ =	sfence.sel $0xFFFF  }
0xc7: {  	[dreg:$0x0] =	wrdreg $0xFFFFFFFF;
	(pc) =	sbr.abs _section_cstart, $3  }
0xc8: {  	[dreg:$0x1] =	wrdreg $0xFFFFFFFF  }
0xc9: {  	_ =	task.clear_ibuf [dreg:s9], $0x2FFFF;
	_ =	strace $0x9FFFFFFF  }
0xca: {  	(tm) =	ssettm $0x7FFFFFFF  }
0xcb: {  	_ =	shalt  }
tec
execute0_lowered:
.L_overlay_start_1:
0x0: {  	(tag) =	ssettag $0x1  }
0x1: {  	s1 =	stileid.u32  }
0x2: {  	p0 =	sgt.u32 s1, $0x3  }
.Ltmp0:
0x3: {  	s2 =	rddreg [dreg:$0x0];
	(pc) =	sbr.rel @p0 .LBB2_4-.Ltmp0, $4  }
0x4: {  	s4 =	rddreg [dreg:$0x1]  }
0x5: {  	s6 =	rddreg [dreg:$0x2];
	s3 =	simm.s32 $0x0  }
0x6: {  	[smem:$0x7FF] =	sst s3  }
0x7: {  	s0 =	rddreg [dreg:$0x3];
	_ =	strace $0x80000047  }
0x8: {  	s5 =	srdreg.scid  }
0x9: {  	s30 =	sshll.u32 s1, $0x1;
	s7 =	sand.u32 $0x1, s5  }
0xa: {  	s8 =	sor.u32 s7, s30  }
0xb: {  	s5 =	sshll.u32 s8, $0x1  }
0xc: {  	s5 =	sadd.s32 s4, s5;
	s4 =	simm.s32 $0x2  }
0xd: {  	[tilespmem:s3], [sflag:$0x2] =	stream.linear.gather [hbm4b:s5+s3], $0x10, $0x38;
	[tilespmem:$0x210] =	vst v63  }
0xe: {  	_ =	swait.ge [sflag:s4], $0x10  }
0xf: {  	[sflag:s4] =	ssyncset.done $0x0  }
0x10: {  	[sflag:s4] =	ssyncadd.s32 $0xFFFFFFF0  }
0x11: {  	v1 =	vld [tilespmem:$0x0];
	_ =	sdelay $0x3  }
0x12: {  	v0 =	vlaneseq.u32;
	s9 =	sshll.u32 s8, $0x4  }
0x13: {  	v0 =	vor.u32 s9, v0;
	v1 =	vshll.u32 v1, $0xB  }
0x14: {  	s7 =	ssub.s32 $0x2, s7;
	v7 =	vor.u32 v0, v1  }
0x15: {  	s31 =	sshrl.u32 s7, $0x1;
	[tilespmem:$0x10] =	vst v7;
	v1 =	vadd.s32 $0x780, v7  }
0x16: {  	s7 =	ssub.s32 s7, s31;
	v2 =	vadd.s32 $0x80, v7;
	[tilespmem:$0x100] =	vst v1  }
0x17: {  	s11 =	smax.u32 s7, $0x1;
	v3 =	vadd.s32 $0x580, v7;
	[tilespmem:$0x20] =	vst v2  }
0x18: {  	p0 =	sne.s32 s11, $0x1;
	v5 =	vadd.s32 $0x700, v7;
	[tilespmem:$0xC0] =	vst v3  }
.Ltmp1:
0x19: {  	v8 =	vadd.s32 $0x180, v7;
	[tilespmem:$0xF0] =	vst v5;
	(pc) =	sbr.rel @!p0 .LBB2_3-.Ltmp1, $4  }
0x1a: {  	v1 =	vadd.s32 $0x100, v7;
	[tilespmem:$0x40] =	vst v8  }
0x1b: {  	s8 =	sshll.u32 s8, $0x5;
	v4 =	vadd.s32 $0x380, v7;
	v6 =	vor.u32 $0x600, v7;
	v2 =	vadd.s32 $0x280, v7;
	[tilespmem:$0x30] =	vst v1  }
0x1c: {  	s10 =	simm.s32 $0x1;
	s6 =	sadd.s32 s6, s8;
	s8 =	simm.s32 $0x10;
	v3 =	vadd.s32 $0x480, v7;
	v5 =	vadd.s32 $0x500, v7;
	v1 =	vor.u32 $0x400, v7;
	[tilespmem:$0x60] =	vst v2  }
0x1d: {  	s9 =	simm.s32 $0x110;
	s7 =	simm.s32 $0x100;
	s11 =	sadd.s32 $0xFFFFFFFF, s11;
	v2 =	vor.u32 $0x200, v7;
	[tilespmem:$0x90] =	vst v1;
	v1 =	vadd.s32 $0x300, v7;
	v7 =	vadd.s32 $0x680, v7  }
.LBB2_2:
0x1e: {  	p0 =	sne.s32 s11, $0x1;
	s11 =	sadd.s32 $0xFFFFFFFF, s11;
	[tilespmem:$0x50] =	vst v2  }
0x1f: {  	[tilespmem:$0xE0] =	vst v7  }
0x20: {  	[tilespmem:$0x80] =	vst v4  }
0x21: {  	[tilespmem:$0xD0] =	vst v6  }
0x22: {  	[tilespmem:$0xB0] =	vst v5  }
0x23: {  	[tilespmem:$0x70] =	vst v1  }
0x24: {  	[tilespmem:$0xA0] =	vst v3  }
0x25: {  	[tilespmem:s9], [sflag:$0x1] =	stream.indirect.gather [hbm4b:s2+s7], $0x1, s8, s7, $0xb8;
	[tilespmem:$0x210] =	vst v63  }
0x26: {  	_ =	swait.ge [sflag:s10], $0x100  }
0x27: {  	[sflag:s10] =	ssyncset.done $0x0  }
0x28: {  	[sflag:s10] =	ssyncadd.s32 $0xFFFFFF00  }
0x29: {  	[hbm4b:s6+s3] =	stream.linear.scatter [tilespmem:s9], [sflag:$0x2], $0x100, $0x38;
	[tilespmem:$0x210] =	vst v63  }
0x2a: {  	_ =	swait.ge [sflag:s4], $0x100  }
0x2b: {  	[sflag:s4] =	ssyncset.done $0x0  }
0x2c: {  	[sflag:s4] =	ssyncadd.s32 $0xFFFFFF00  }
0x2d: {  	[tilespmem:s3], [sflag:$0x2] =	stream.linear.gather [hbm4b:s5+s3], $0x10, $0x38;
	[tilespmem:$0x210] =	vst v63  }
0x2e: {  	_ =	swait.ge [sflag:s4], $0x10  }
0x2f: {  	[sflag:s4] =	ssyncset.done $0x0  }
0x30: {  	[sflag:s4] =	ssyncadd.s32 $0xFFFFFFF0  }
0x31: {  	v1 =	vld [tilespmem:$0x0];
	_ =	sdelay $0x4  }
0x32: {  	v1 =	vshll.u32 v1, $0xB  }
0x33: {  	v8 =	vor.u32 v0, v1  }
0x34: {  	[tilespmem:$0x10] =	vst v8;
	v1 =	vadd.s32 $0x80, v8;
	v3 =	vadd.s32 $0x100, v8;
	v4 =	vadd.s32 $0x780, v8  }
0x35: {  	v9 =	vadd.s32 $0x180, v8;
	v2 =	vor.u32 $0x200, v8;
	v6 =	vadd.s32 $0x280, v8;
	[tilespmem:$0x100] =	vst v4  }
0x36: {  	v10 =	vor.u32 $0x400, v8;
	v4 =	vadd.s32 $0x380, v8;
	[tilespmem:$0x20] =	vst v1;
	v1 =	vadd.s32 $0x300, v8  }
0x37: {  	v5 =	vadd.s32 $0x500, v8;
	v11 =	vadd.s32 $0x580, v8;
	[tilespmem:$0x30] =	vst v3;
	v3 =	vadd.s32 $0x480, v8  }
.Ltmp2:
0x38: {  	v7 =	vadd.s32 $0x680, v8;
	[tilespmem:$0x60] =	vst v6;
	v6 =	vor.u32 $0x600, v8;
	v8 =	vadd.s32 $0x700, v8;
	(pc) =	sbr.rel @p0 .LBB2_2-.Ltmp2, $4  }
0x39: {  	[tilespmem:$0x90] =	vst v10  }
0x3a: {  	[tilespmem:$0xC0] =	vst v11  }
0x3b: {  	[tilespmem:$0xF0] =	vst v8  }
0x3c: {  	[tilespmem:$0x40] =	vst v9  }
.LBB2_3:
0x3d: {  	[tilespmem:$0x50] =	vst v2  }
0x3e: {  	[tilespmem:$0xE0] =	vst v7  }
0x3f: {  	[tilespmem:$0x80] =	vst v4  }
0x40: {  	[tilespmem:$0xD0] =	vst v6  }
0x41: {  	[tilespmem:$0xB0] =	vst v5  }
0x42: {  	[tilespmem:$0x70] =	vst v1  }
0x43: {  	[tilespmem:$0xA0] =	vst v3  }
0x44: {  	[tilespmem:s9], [sflag:$0x1] =	stream.indirect.gather [hbm4b:s2+s7], $0x1, s8, s7, $0xb8;
	[tilespmem:$0x210] =	vst v63  }
0x45: {  	_ =	swait.ge [sflag:s10], $0x100  }
0x46: {  	[sflag:s10] =	ssyncset.done $0x0  }
0x47: {  	[sflag:s10] =	ssyncadd.s32 $0xFFFFFF00  }
0x48: {  	[hbm4b:s6+s3] =	stream.linear.scatter [tilespmem:s9], [sflag:$0x2], $0x100, $0x38;
	[tilespmem:$0x210] =	vst v63  }
0x49: {  	_ =	swait.ge [sflag:s4], $0x100  }
0x4a: {  	[sflag:s4] =	ssyncset.done $0x0  }
0x4b: {  	[sflag:s4] =	ssyncadd.s32 $0xFFFFFF00  }
.LBB2_4:
0x4c: {  	_ =	sfence.sel $0x180000  }
0x4d: {  	[bflag:$0x0] =	sbarrier.arrive $0xFFFF  }
0x4e: {  	p0 =	sne.s32 s1, $0x0;
	_ =	strace $0x90000047  }
0x4f: {  	s0 =	sadd.s32 @!p0 $0x100000, s0;
	[bflag:$0x2] =	sbarrier.arrive $0xFFFF  }
0x50: {  	[sflag:s0] =	ssyncadd.tile.s32 @!p0 $0x1;
	_ =	shalt  }
.Lfunc_end2:
_tile_overlayer_lowered:
.L_overlay_start_2:
0x51: {  	(tag) =	ssettag $0x2  }
0x52: {  	s0 =	rddreg [dreg:$0x0];
	s2 =	stileid.u32  }
0x53: {  	s1 =	rddreg [dreg:$0x1];
	p0 =	sne.s32 s2, $0x0  }
0x54: {  	s3 =	rddreg [dreg:$0x2];
	[bflag:$0x3] =	sbarrier.arrive $0xFFFF;
	s2 =	simm.s32 @!p0 $0x1C02  }
0x55: {  	[timem:s3], [sflag:s2] =	dma.local @!p0 [hbm:s0], s1  }
0x56: {  	s0 =	simm.s32 @!p0 $0x2  }
0x57: {  	_ =	swait.ge @!p0 [sflag:s0], s1  }
0x58: {  	s1 =	ssub.s32 @!p0 $0x0, s1;
	[sflag:s0] =	ssyncset.done @!p0 $0x0  }
0x59: {  	[sflag:s0] =	ssyncadd.s32 @!p0 s1  }
0x5a: {  	[bflag:$0x3] =	sbarrier.arrive $0xFFFF  }
0x5b: {  	_ =	shalt  }

</sc_bundles>
